<compile_context>
chip_gen: v7x
topology: tpu7x:2x2x1
jax: 0.10.2.dev20260603
libtpu: 0.0.44.dev20260713+nightly
codegen_flags: <defaults>
</compile_context>

<pallas_src>
import functools

import jax
import jax.numpy as jnp
from jax import lax
from jax.experimental import pallas as pl
from jax.experimental.pallas import tpu as pltpu
from jax.experimental.pallas import tpu_sc as plsc

N_CODES = 8192
DIM = 256
N_TOK = 8192
TOK_BLK = 1024
K_BLK = 1024


def _bf16_rne(x):
    u = lax.bitcast_convert_type(x, jnp.uint32)
    r = (u + jnp.uint32(0x7FFF) + ((u >> jnp.uint32(16)) & jnp.uint32(1)))
    r = r & jnp.uint32(0xFFFF0000)
    return lax.bitcast_convert_type(r, jnp.float32)


def _argmin_body(z_ref, e_ref, z2_ref, e2_ref, idx_ref):
    z = z_ref[...]
    z2 = z2_ref[0, 0, :]

    def body(c, carry):
        best_d, best_i = carry
        e = e_ref[pl.ds(c * K_BLK, K_BLK), :]
        e2 = e2_ref[0, pl.ds(c * K_BLK, K_BLK)]
        mm = lax.dot_general(z, e, (((1,), (1,)), ((), ())),
                             preferred_element_type=jnp.float32)
        d = (z2[:, None] + e2[None, :]) - 2.0 * mm
        m = jnp.min(d, axis=1)
        ii = lax.broadcasted_iota(jnp.int32, d.shape, 1)
        cand = jnp.where(d == m[:, None], ii, jnp.int32(2**30))
        a = jnp.min(cand, axis=1) + c * K_BLK
        upd = m < best_d
        return jnp.where(upd, m, best_d), jnp.where(upd, a, best_i)

    def half(c0, c1):
        init = (jnp.full((TOK_BLK,), jnp.inf, jnp.float32),
                jnp.zeros((TOK_BLK,), jnp.int32))
        return lax.fori_loop(c0, c1, body, init)

    nh = N_CODES // K_BLK // 2
    m_lo, a_lo = half(0, nh)
    m_hi, a_hi = half(nh, 2 * nh)
    use_hi = m_hi < _bf16_rne(m_lo)
    idx_ref[...] = jnp.where(use_hi, a_hi, a_lo)[None, None, :]


def _tc_argmin(z_flat, emb_w, z2, e2):
    return pl.pallas_call(
        _argmin_body,
        grid=(N_TOK // TOK_BLK,),
        in_specs=[
            pl.BlockSpec((TOK_BLK, DIM), lambda i: (i, 0)),
            pl.BlockSpec((N_CODES, DIM), lambda i: (0, 0)),
            pl.BlockSpec((1, 1, TOK_BLK), lambda i: (i, 0, 0)),
            pl.BlockSpec((1, N_CODES), lambda i: (0, 0)),
        ],
        out_specs=pl.BlockSpec((1, 1, TOK_BLK), lambda i: (i, 0, 0)),
        out_shape=jax.ShapeDtypeStruct((N_TOK // TOK_BLK, 1, TOK_BLK),
                                       jnp.int32),
    )(z_flat, emb_w, z2, e2)



_NW = 32
_ROWS_PER_W = N_TOK // _NW
_HIST_ROWS = N_CODES // 8
_HROWS_PER_S = _HIST_ROWS // 16


def _sc_body(emb_hbm, idx_hbm, zeros_hbm, pat_hbm, zq_hbm, cnt_hbm,
             idx_v, g_v, r_v, rows_v, src_v, cnt_v, hist, sem):
    cid = lax.axis_index("c")
    sid = lax.axis_index("s")
    wid = sid * 2 + cid
    pltpu.sync_copy(idx_hbm.at[pl.ds(wid * 2, 2)], idx_v)
    g0 = pltpu.async_copy(emb_hbm.at[idx_v.at[0]],
                          rows_v.at[pl.ds(0, 128)], sem)
    g1 = pltpu.async_copy(emb_hbm.at[idx_v.at[1]],
                          rows_v.at[pl.ds(128, 128)], sem)
    @pl.loop(0, 2)
    def _(j):
        @pl.loop(0, 8)
        def _(c):
            iv = idx_v[j, pl.ds(c * 16, 16)]
            g_v[j, pl.ds(c * 16, 16)] = iv & 7
            r_v[j, pl.ds(c * 16, 16)] = iv >> 3
    pltpu.sync_copy(pat_hbm.at[g_v.at[0]], src_v.at[pl.ds(0, 128)])
    pltpu.sync_copy(pat_hbm.at[g_v.at[1]], src_v.at[pl.ds(128, 128)])
    pltpu.sync_copy(zeros_hbm.at[pl.ds(sid * _HROWS_PER_S, _HROWS_PER_S)],
                    hist.at[pl.ds(sid * _HROWS_PER_S, _HROWS_PER_S)])
    plsc.subcore_barrier()
    pltpu.sync_copy(src_v.at[pl.ds(0, 128)], hist.at[r_v.at[0]], add=True)
    pltpu.sync_copy(src_v.at[pl.ds(128, 128)], hist.at[r_v.at[1]], add=True)
    plsc.subcore_barrier()
    pltpu.sync_copy(hist.at[pl.ds(sid * _HROWS_PER_S, _HROWS_PER_S)], cnt_v)
    pltpu.sync_copy(cnt_v,
                    cnt_hbm.at[pl.ds(cid * _HIST_ROWS + sid * _HROWS_PER_S,
                                     _HROWS_PER_S)])
    g0.wait()
    g1.wait()
    pltpu.sync_copy(rows_v, zq_hbm.at[pl.ds(wid * _ROWS_PER_W, _ROWS_PER_W)])


@jax.jit
def _sc_gather_count(emb_w, idx2d, zeros, pat):
    k = pl.kernel(
        _sc_body,
        mesh=plsc.VectorSubcoreMesh(core_axis_name="c", subcore_axis_name="s"),
        out_type=[
            jax.ShapeDtypeStruct((N_TOK, DIM), jnp.float32),
            jax.ShapeDtypeStruct((2 * _HIST_ROWS, 128), jnp.float32),
        ],
        scratch_types=[
            pltpu.VMEM((2, 128), jnp.int32),
            pltpu.VMEM((2, 128), jnp.int32),
            pltpu.VMEM((2, 128), jnp.int32),
            pltpu.VMEM((_ROWS_PER_W, DIM), jnp.float32),
            pltpu.VMEM((_ROWS_PER_W, 128), jnp.float32),
            pltpu.VMEM((_HROWS_PER_S, 128), jnp.float32),
            pltpu.VMEM_SHARED((_HIST_ROWS, 128), jnp.float32),
            pltpu.SemaphoreType.DMA,
        ],
    )
    return k(emb_w, idx2d, zeros, pat)



def _loss_body(z_ref, q_ref, cnt_ref, st_ref, loss_ref, perp_ref):
    z = z_ref[...]
    q = q_ref[...]
    dlt = q - z
    st_ref[...] = z + dlt
    sq = dlt * dlt
    loss_ref[0, 0] = 1.25 * (jnp.sum(sq) / jnp.float32(N_TOK * DIM))
    cnt = cnt_ref[0:_HIST_ROWS, :] + cnt_ref[_HIST_ROWS:2 * _HIST_ROWS, :]
    e_mean = cnt * jnp.float32(1.0 / N_TOK)
    ent = jnp.sum(e_mean * jnp.log(e_mean + 1e-10)) / jnp.float32(16.0)
    perp_ref[0, 0] = jnp.exp(-ent)


def _tc_loss(z_flat, zq_flat, cnt):
    return pl.pallas_call(
        _loss_body,
        in_specs=[
            pl.BlockSpec(memory_space=pltpu.VMEM),
            pl.BlockSpec(memory_space=pltpu.VMEM),
            pl.BlockSpec(memory_space=pltpu.VMEM),
        ],
        out_specs=[
            pl.BlockSpec(memory_space=pltpu.VMEM),
            pl.BlockSpec(memory_space=pltpu.SMEM),
            pl.BlockSpec(memory_space=pltpu.SMEM),
        ],
        out_shape=[
            jax.ShapeDtypeStruct((N_TOK, DIM), jnp.float32),
            jax.ShapeDtypeStruct((1, 1), jnp.float32),
            jax.ShapeDtypeStruct((1, 1), jnp.float32),
        ],
    )(z_flat, zq_flat, cnt)



def kernel(z, emb_w):
    B, E, L = z.shape
    zp = jnp.transpose(z, (0, 2, 1))
    z_flat = zp.reshape(N_TOK, DIM)
    z2 = jnp.sum(zp ** 2, axis=2).reshape(N_TOK // TOK_BLK, 1, TOK_BLK)
    e2 = jnp.sum(emb_w ** 2, axis=1).reshape(1, N_CODES)
    idx3 = _tc_argmin(z_flat, emb_w, z2, e2)
    idx_flat = idx3.reshape(N_TOK)
    pat = (lax.broadcasted_iota(jnp.int32, (8, 128), 1) // 16
           == lax.broadcasted_iota(jnp.int32, (8, 128), 0)).astype(jnp.float32)
    zq_flat, cnt = _sc_gather_count(
        emb_w, idx_flat.reshape(N_TOK // 128, 128),
        jnp.zeros((_HIST_ROWS, 128), jnp.float32), pat)
    st_flat, loss, perp = _tc_loss(z_flat, zq_flat, cnt)
    z_q = jnp.transpose(st_flat.reshape(B, L, E), (0, 2, 1))
    return (z_q, loss[0, 0], perp[0, 0], idx_flat[:, None])

# --- scband reference (transcript-rebuilt; emitter-appended) ---
"""Pipeline reference for scband-vector-quantizer-19129784336699 (READ-ONLY COPY).

The authoritative reference and input builder live on the scoring server;
editing this copy changes nothing except your own understanding.
"""

import jax, jax.numpy as jnp
import numpy as np

N_E = 8192
E_DIM = 256
BETA = 0.25

def setup_inputs(seed: int = 0):
    key = jax.random.key(seed)
    k1, k2 = jax.random.split(key)
    z = jax.random.normal(k1, (8, 256, 1024), dtype=jnp.float32)
    emb_w = jax.random.uniform(k2, (N_E, E_DIM), dtype=jnp.float32, minval=-1.0 / N_E, maxval=1.0 / N_E)
    return {"z": z, "emb_w": emb_w}

def reference(z, emb_w):
    # z: [B, e_dim, L] -> permute to [B, L, e_dim]
    zp = jnp.transpose(z, (0, 2, 1))
    z_flat = zp.reshape(-1, E_DIM)
    # pairwise squared distances to codebook
    d = (jnp.sum(z_flat ** 2, axis=1, keepdims=True)
         + jnp.sum(emb_w ** 2, axis=1)
         - 2.0 * jnp.matmul(z_flat, emb_w.T))
    min_encoding_indices = jnp.argmin(d, axis=1)[:, None]
    n_tok = z_flat.shape[0]
    min_encodings = jnp.zeros((n_tok, N_E), dtype=zp.dtype).at[jnp.arange(n_tok), min_encoding_indices[:, 0]].set(1.0)
    z_q = jnp.matmul(min_encodings, emb_w).reshape(zp.shape)
    loss = (BETA * jnp.mean((jax.lax.stop_gradient(z_q) - zp) ** 2)
            + jnp.mean((z_q - jax.lax.stop_gradient(zp)) ** 2))
    # straight-through estimator
    z_q = zp + jax.lax.stop_gradient(z_q - zp)
    e_mean = jnp.mean(min_encodings, axis=0)
    perplexity = jnp.exp(-jnp.sum(e_mean * jnp.log(e_mean + 1e-10)))
    z_q = jnp.transpose(z_q, (0, 2, 1))
    return (z_q, loss, perplexity, min_encoding_indices)

if __name__ == "__main__":
    import jax
    _d = setup_inputs()
    print(jax.jit(kernel)(*tuple(_d.values())))

</pallas_src>

<mosaic_0001>
#map = affine_map<(d0, d1) -> (0, 0)>
module attributes {stable_mosaic.version = 14 : i64} {
  func.func @_sc_body(%arg0: i32, %arg1: i32, %arg2: memref<8192x256xf32, #tpu.memory_space<hbm>>, %arg3: memref<64x128xi32, #tpu.memory_space<hbm>>, %arg4: memref<1024x128xf32, #tpu.memory_space<hbm>>, %arg5: memref<8x128xf32, #tpu.memory_space<hbm>>, %arg6: memref<8192x256xf32, #tpu.memory_space<hbm>>, %arg7: memref<2048x128xf32, #tpu.memory_space<hbm>>, %arg8: memref<2x128xi32, #tpu.memory_space<vmem>>, %arg9: memref<2x128xi32, #tpu.memory_space<vmem>>, %arg10: memref<2x128xi32, #tpu.memory_space<vmem>>, %arg11: memref<256x256xf32, #tpu.memory_space<vmem>>, %arg12: memref<256x128xf32, #tpu.memory_space<vmem>>, %arg13: memref<64x128xf32, #tpu.memory_space<vmem>>, %arg14: memref<1024x128xf32, #tpu.memory_space<vmem_shared>>, %arg15: memref<!tpu.dma_semaphore, #tpu.memory_space<semaphore_mem>>) attributes {dimension_semantics = [#tpu.dimension_semantics<core_parallel>, #tpu.dimension_semantics<subcore_parallel>], iteration_bounds = array<i64: 2, 16>, scalar_prefetch = 0 : i64, scratch_operands = 8 : i64, tpu.core_type = #tpu.core_type<sc_vector_subcore>, window_params = [{transform_indices = #map}, {transform_indices = #map}, {transform_indices = #map}, {transform_indices = #map}, {transform_indices = #map}, {transform_indices = #map}]} {
    %mul3A = arith.constant 2 : i32
    %mul3A_0 = arith.muli %arg1, %mul3A : i32
    %add3A = arith.addi %mul3A_0, %arg0 : i32
    %mul3A_1 = arith.constant 2 : i32
    %mul3A_2 = arith.muli %add3A, %mul3A_1 : i32
    "tpu.region"() ({
      %run_scoped3A_62 = tpu.sem_alloc : memref<!tpu.dma_semaphore, #tpu.memory_space<semaphore_mem>>
      %dma_start3A_63 = arith.constant 0 : i32
      %dma_start3A_64 = tpu.memref_slice %arg3[%mul3A_2, %dma_start3A_63] : memref<64x128xi32, #tpu.memory_space<hbm>> -> memref<2x128xi32, #tpu.memory_space<hbm>>
      %dma_start3A_65 = arith.constant 0 : i32
      %dma_start3A_66 = tpu.memref_slice %arg3[%mul3A_2, %dma_start3A_65] : memref<64x128xi32, #tpu.memory_space<hbm>> -> memref<2x128xi32, #tpu.memory_space<hbm>>
      tpu.enqueue_dma source(%dma_start3A_66 : memref<2x128xi32, #tpu.memory_space<hbm>>) target(%arg8 : memref<2x128xi32, #tpu.memory_space<vmem>>) target_semaphore(%run_scoped3A_62 : memref<!tpu.dma_semaphore, #tpu.memory_space<semaphore_mem>>)
      %dma_wait3A_67 = arith.constant 0 : i32
      %dma_wait3A_68 = tpu.memref_slice %arg3[%mul3A_2, %dma_wait3A_67] : memref<64x128xi32, #tpu.memory_space<hbm>> -> memref<2x128xi32, #tpu.memory_space<hbm>>
      %dma_wait3A_69 = arith.constant 0 : i32
      %dma_wait3A_70 = tpu.memref_slice %arg3[%mul3A_2, %dma_wait3A_69] : memref<64x128xi32, #tpu.memory_space<hbm>> -> memref<2x128xi32, #tpu.memory_space<hbm>>
      tpu.wait_dma2 semaphore(%run_scoped3A_62 : memref<!tpu.dma_semaphore, #tpu.memory_space<semaphore_mem>>) src(%dma_wait3A_70 : memref<2x128xi32, #tpu.memory_space<hbm>>) dst(%arg8 : memref<2x128xi32, #tpu.memory_space<vmem>>)
      tpu.yield
    }) : () -> ()
    %dma_start3A = arith.constant 0 : i32
    %dma_start3A_3 = arith.constant 0 : i32
    %dma_start3A_4 = arith.constant 0 : i32
    %dma_start3A_5 = tpu.memref_slice %arg11[%dma_start3A_3, %dma_start3A_4] : memref<256x256xf32, #tpu.memory_space<vmem>> -> memref<128x256xf32, #tpu.memory_space<vmem>>
    %dma_start3A_6 = arith.constant 0 : i32
    %dma_start3A_7 = tpu.memref_slice %arg8[%dma_start3A, %dma_start3A_6] : memref<2x128xi32, #tpu.memory_space<vmem>> -> memref<1x128xi32, #tpu.memory_space<vmem>>
    %dma_start3A_8 = tpu.memref_squeeze %dma_start3A_7 : memref<1x128xi32, #tpu.memory_space<vmem>> -> memref<128xi32, #tpu.memory_space<vmem>>
    %dma_start3A_9 = arith.constant 0 : i32
    %dma_start3A_10 = arith.constant 0 : i32
    %dma_start3A_11 = tpu.memref_slice %arg2[%dma_start3A_9, %dma_start3A_10] : memref<8192x256xf32, #tpu.memory_space<hbm>> -> memref<8192x256xf32, #tpu.memory_space<hbm>>
    tpu.enqueue_indirect_dma source(%dma_start3A_11 : memref<8192x256xf32, #tpu.memory_space<hbm>>) target(%dma_start3A_5 : memref<128x256xf32, #tpu.memory_space<vmem>>) offsets(%dma_start3A_8 : memref<128xi32, #tpu.memory_space<vmem>>) semaphore(%arg15 : memref<!tpu.dma_semaphore, #tpu.memory_space<semaphore_mem>>)
    %dma_start3A_12 = arith.constant 1 : i32
    %dma_start3A_13 = arith.constant 128 : i32
    %dma_start3A_14 = arith.constant 0 : i32
    %dma_start3A_15 = tpu.memref_slice %arg11[%dma_start3A_13, %dma_start3A_14] : memref<256x256xf32, #tpu.memory_space<vmem>> -> memref<128x256xf32, #tpu.memory_space<vmem>>
    %dma_start3A_16 = arith.constant 0 : i32
    %dma_start3A_17 = tpu.memref_slice %arg8[%dma_start3A_12, %dma_start3A_16] : memref<2x128xi32, #tpu.memory_space<vmem>> -> memref<1x128xi32, #tpu.memory_space<vmem>>
    %dma_start3A_18 = tpu.memref_squeeze %dma_start3A_17 : memref<1x128xi32, #tpu.memory_space<vmem>> -> memref<128xi32, #tpu.memory_space<vmem>>
    %dma_start3A_19 = arith.constant 0 : i32
    %dma_start3A_20 = arith.constant 0 : i32
    %dma_start3A_21 = tpu.memref_slice %arg2[%dma_start3A_19, %dma_start3A_20] : memref<8192x256xf32, #tpu.memory_space<hbm>> -> memref<8192x256xf32, #tpu.memory_space<hbm>>
    tpu.enqueue_indirect_dma source(%dma_start3A_21 : memref<8192x256xf32, #tpu.memory_space<hbm>>) target(%dma_start3A_15 : memref<128x256xf32, #tpu.memory_space<vmem>>) offsets(%dma_start3A_18 : memref<128xi32, #tpu.memory_space<vmem>>) semaphore(%arg15 : memref<!tpu.dma_semaphore, #tpu.memory_space<semaphore_mem>>)
    %scan3A = arith.constant 0 : i32
    %scan3A_22 = arith.constant 2 : i32
    %scan3A_23 = arith.addi %scan3A, %scan3A_22 : i32
    %scan3A_24 = arith.constant 1 : i32
    scf.for %scan3A_62 = %scan3A to %scan3A_23 step %scan3A_24  : i32 {
      %mul3A_63 = arith.constant 1 : i32
      %mul3A_64 = arith.muli %scan3A_62, %mul3A_63 : i32
      %add3A_65 = arith.constant 0 : i32
      %add3A_66 = arith.addi %add3A_65, %mul3A_64 : i32
      %scan3A_67 = arith.constant 0 : i32
      %scan3A_68 = arith.constant 8 : i32
      %scan3A_69 = arith.addi %scan3A_67, %scan3A_68 : i32
      %scan3A_70 = arith.constant 1 : i32
      scf.for %scan3A_72 = %scan3A_67 to %scan3A_69 step %scan3A_70  : i32 {
        %mul3A_73 = arith.constant 1 : i32
        %mul3A_74 = arith.muli %scan3A_72, %mul3A_73 : i32
        %add3A_75 = arith.constant 0 : i32
        %add3A_76 = arith.addi %add3A_75, %mul3A_74 : i32
        %mul3A_77 = arith.constant 16 : i32
        %mul3A_78 = arith.muli %add3A_76, %mul3A_77 : i32
        %get3A = arith.index_cast %add3A_66 : i32 to index
        %get3A_79 = arith.index_cast %mul3A_78 : i32 to index
        %get3A_80 = tpu.vector_load %arg8[%get3A, %get3A_79] {strides = array<i32>} : memref<2x128xi32, #tpu.memory_space<vmem>>, vector<1x16xi32>,
        %get3A_81 = vector.shape_cast %get3A_80 : vector<1x16xi32> to vector<16xi32>
        %and3A = arith.constant 7 : i32
        %and3A_82 = vector.broadcast %and3A : i32 to vector<16xi32>
        %and3A_83 = arith.andi %get3A_81, %and3A_82 : vector<16xi32>
        %mul3A_84 = arith.constant 16 : i32
        %mul3A_85 = arith.muli %add3A_76, %mul3A_84 : i32
        %swap3A = arith.index_cast %add3A_66 : i32 to index
        %swap3A_86 = arith.index_cast %mul3A_85 : i32 to index
        %swap3A_87 = tpu.vector_load %arg9[%swap3A, %swap3A_86] {strides = array<i32>} : memref<2x128xi32, #tpu.memory_space<vmem>>, vector<1x16xi32>,
        %swap3A_88 = vector.shape_cast %swap3A_87 : vector<1x16xi32> to vector<16xi32>
        %swap3A_89 = vector.shape_cast %and3A_83 : vector<16xi32> to vector<1x16xi32>
        tpu.vector_store %arg9[%swap3A, %swap3A_86], %swap3A_89 {strides = array<i32>} : memref<2x128xi32, #tpu.memory_space<vmem>>, vector<1x16xi32>,
        %shift_right_arithmetic3A = arith.constant 3 : i32
        %shift_right_arithmetic3A_90 = vector.broadcast %shift_right_arithmetic3A : i32 to vector<16xi32>
        %shift_right_arithmetic3A_91 = arith.shrsi %get3A_81, %shift_right_arithmetic3A_90 : vector<16xi32>
        %mul3A_92 = arith.constant 16 : i32
        %mul3A_93 = arith.muli %add3A_76, %mul3A_92 : i32
        %swap3A_94 = arith.index_cast %add3A_66 : i32 to index
        %swap3A_95 = arith.index_cast %mul3A_93 : i32 to index
        %swap3A_96 = tpu.vector_load %arg10[%swap3A_94, %swap3A_95] {strides = array<i32>} : memref<2x128xi32, #tpu.memory_space<vmem>>, vector<1x16xi32>,
        %swap3A_97 = vector.shape_cast %swap3A_96 : vector<1x16xi32> to vector<16xi32>
        %swap3A_98 = vector.shape_cast %shift_right_arithmetic3A_91 : vector<16xi32> to vector<1x16xi32>
        tpu.vector_store %arg10[%swap3A_94, %swap3A_95], %swap3A_98 {strides = array<i32>} : memref<2x128xi32, #tpu.memory_space<vmem>>, vector<1x16xi32>,
      }
      %scan3A_71 = arith.constant 8 : i32
    }
    %scan3A_25 = arith.constant 2 : i32
    %run_scoped3A = arith.constant 0 : i32
    "tpu.region"() ({
      %run_scoped3A_62 = tpu.sem_alloc : memref<!tpu.dma_semaphore, #tpu.memory_space<semaphore_mem>>
      %dma_start3A_63 = arith.constant 0 : i32
      %dma_start3A_64 = arith.constant 0 : i32
      %dma_start3A_65 = tpu.memref_slice %arg12[%dma_start3A_63, %dma_start3A_64] : memref<256x128xf32, #tpu.memory_space<vmem>> -> memref<128x128xf32, #tpu.memory_space<vmem>>
      %dma_start3A_66 = arith.constant 0 : i32
      %dma_start3A_67 = tpu.memref_slice %arg9[%run_scoped3A, %dma_start3A_66] : memref<2x128xi32, #tpu.memory_space<vmem>> -> memref<1x128xi32, #tpu.memory_space<vmem>>
      %dma_start3A_68 = tpu.memref_squeeze %dma_start3A_67 : memref<1x128xi32, #tpu.memory_space<vmem>> -> memref<128xi32, #tpu.memory_space<vmem>>
      %dma_start3A_69 = arith.constant 0 : i32
      %dma_start3A_70 = arith.constant 0 : i32
      %dma_start3A_71 = tpu.memref_slice %arg5[%dma_start3A_69, %dma_start3A_70] : memref<8x128xf32, #tpu.memory_space<hbm>> -> memref<8x128xf32, #tpu.memory_space<hbm>>
      tpu.enqueue_indirect_dma source(%dma_start3A_71 : memref<8x128xf32, #tpu.memory_space<hbm>>) target(%dma_start3A_65 : memref<128x128xf32, #tpu.memory_space<vmem>>) offsets(%dma_start3A_68 : memref<128xi32, #tpu.memory_space<vmem>>) semaphore(%run_scoped3A_62 : memref<!tpu.dma_semaphore, #tpu.memory_space<semaphore_mem>>)
      %dma_wait3A_72 = arith.constant 0 : i32
      %dma_wait3A_73 = arith.constant 0 : i32
      %dma_wait3A_74 = tpu.memref_slice %arg12[%dma_wait3A_72, %dma_wait3A_73] : memref<256x128xf32, #tpu.memory_space<vmem>> -> memref<128x128xf32, #tpu.memory_space<vmem>>
      %dma_wait3A_75 = arith.constant 0 : i32
      %dma_wait3A_76 = tpu.memref_slice %arg9[%run_scoped3A, %dma_wait3A_75] : memref<2x128xi32, #tpu.memory_space<vmem>> -> memref<1x128xi32, #tpu.memory_space<vmem>>
      %dma_wait3A_77 = tpu.memref_squeeze %dma_wait3A_76 : memref<1x128xi32, #tpu.memory_space<vmem>> -> memref<128xi32, #tpu.memory_space<vmem>>
      %dma_wait3A_78 = arith.constant 0 : i32
      %dma_wait3A_79 = arith.constant 0 : i32
      %dma_wait3A_80 = tpu.memref_slice %arg5[%dma_wait3A_78, %dma_wait3A_79] : memref<8x128xf32, #tpu.memory_space<hbm>> -> memref<8x128xf32, #tpu.memory_space<hbm>>
      tpu.wait_indirect_dma semaphore(%run_scoped3A_62 : memref<!tpu.dma_semaphore, #tpu.memory_space<semaphore_mem>>) src(%dma_wait3A_80 : memref<8x128xf32, #tpu.memory_space<hbm>>) dst(%dma_wait3A_74 : memref<128x128xf32, #tpu.memory_space<vmem>>)
      tpu.yield
    }) : () -> ()
    %run_scoped3A_26 = arith.constant 1 : i32
    "tpu.region"() ({
      %run_scoped3A_62 = tpu.sem_alloc : memref<!tpu.dma_semaphore, #tpu.memory_space<semaphore_mem>>
      %dma_start3A_63 = arith.constant 128 : i32
      %dma_start3A_64 = arith.constant 0 : i32
      %dma_start3A_65 = tpu.memref_slice %arg12[%dma_start3A_63, %dma_start3A_64] : memref<256x128xf32, #tpu.memory_space<vmem>> -> memref<128x128xf32, #tpu.memory_space<vmem>>
      %dma_start3A_66 = arith.constant 0 : i32
      %dma_start3A_67 = tpu.memref_slice %arg9[%run_scoped3A_26, %dma_start3A_66] : memref<2x128xi32, #tpu.memory_space<vmem>> -> memref<1x128xi32, #tpu.memory_space<vmem>>
      %dma_start3A_68 = tpu.memref_squeeze %dma_start3A_67 : memref<1x128xi32, #tpu.memory_space<vmem>> -> memref<128xi32, #tpu.memory_space<vmem>>
      %dma_start3A_69 = arith.constant 0 : i32
      %dma_start3A_70 = arith.constant 0 : i32
      %dma_start3A_71 = tpu.memref_slice %arg5[%dma_start3A_69, %dma_start3A_70] : memref<8x128xf32, #tpu.memory_space<hbm>> -> memref<8x128xf32, #tpu.memory_space<hbm>>
      tpu.enqueue_indirect_dma source(%dma_start3A_71 : memref<8x128xf32, #tpu.memory_space<hbm>>) target(%dma_start3A_65 : memref<128x128xf32, #tpu.memory_space<vmem>>) offsets(%dma_start3A_68 : memref<128xi32, #tpu.memory_space<vmem>>) semaphore(%run_scoped3A_62 : memref<!tpu.dma_semaphore, #tpu.memory_space<semaphore_mem>>)
      %dma_wait3A_72 = arith.constant 128 : i32
      %dma_wait3A_73 = arith.constant 0 : i32
      %dma_wait3A_74 = tpu.memref_slice %arg12[%dma_wait3A_72, %dma_wait3A_73] : memref<256x128xf32, #tpu.memory_space<vmem>> -> memref<128x128xf32, #tpu.memory_space<vmem>>
      %dma_wait3A_75 = arith.constant 0 : i32
      %dma_wait3A_76 = tpu.memref_slice %arg9[%run_scoped3A_26, %dma_wait3A_75] : memref<2x128xi32, #tpu.memory_space<vmem>> -> memref<1x128xi32, #tpu.memory_space<vmem>>
      %dma_wait3A_77 = tpu.memref_squeeze %dma_wait3A_76 : memref<1x128xi32, #tpu.memory_space<vmem>> -> memref<128xi32, #tpu.memory_space<vmem>>
      %dma_wait3A_78 = arith.constant 0 : i32
      %dma_wait3A_79 = arith.constant 0 : i32
      %dma_wait3A_80 = tpu.memref_slice %arg5[%dma_wait3A_78, %dma_wait3A_79] : memref<8x128xf32, #tpu.memory_space<hbm>> -> memref<8x128xf32, #tpu.memory_space<hbm>>
      tpu.wait_indirect_dma semaphore(%run_scoped3A_62 : memref<!tpu.dma_semaphore, #tpu.memory_space<semaphore_mem>>) src(%dma_wait3A_80 : memref<8x128xf32, #tpu.memory_space<hbm>>) dst(%dma_wait3A_74 : memref<128x128xf32, #tpu.memory_space<vmem>>)
      tpu.yield
    }) : () -> ()
    %mul3A_27 = arith.constant 64 : i32
    %mul3A_28 = arith.muli %arg1, %mul3A_27 : i32
    %mul3A_29 = arith.constant 64 : i32
    %mul3A_30 = arith.muli %arg1, %mul3A_29 : i32
    "tpu.region"() ({
      %run_scoped3A_62 = tpu.sem_alloc : memref<!tpu.dma_semaphore, #tpu.memory_space<semaphore_mem>>
      %dma_start3A_63 = arith.constant 0 : i32
      %dma_start3A_64 = tpu.memref_slice %arg14[%mul3A_30, %dma_start3A_63] : memref<1024x128xf32, #tpu.memory_space<vmem_shared>> -> memref<64x128xf32, #tpu.memory_space<vmem_shared>>
      %dma_start3A_65 = arith.constant 0 : i32
      %dma_start3A_66 = tpu.memref_slice %arg4[%mul3A_28, %dma_start3A_65] : memref<1024x128xf32, #tpu.memory_space<hbm>> -> memref<64x128xf32, #tpu.memory_space<hbm>>
      tpu.enqueue_dma source(%dma_start3A_66 : memref<64x128xf32, #tpu.memory_space<hbm>>) target(%dma_start3A_64 : memref<64x128xf32, #tpu.memory_space<vmem_shared>>) target_semaphore(%run_scoped3A_62 : memref<!tpu.dma_semaphore, #tpu.memory_space<semaphore_mem>>)
      %dma_wait3A_67 = arith.constant 0 : i32
      %dma_wait3A_68 = tpu.memref_slice %arg14[%mul3A_30, %dma_wait3A_67] : memref<1024x128xf32, #tpu.memory_space<vmem_shared>> -> memref<64x128xf32, #tpu.memory_space<vmem_shared>>
      %dma_wait3A_69 = arith.constant 0 : i32
      %dma_wait3A_70 = tpu.memref_slice %arg4[%mul3A_28, %dma_wait3A_69] : memref<1024x128xf32, #tpu.memory_space<hbm>> -> memref<64x128xf32, #tpu.memory_space<hbm>>
      tpu.wait_dma2 semaphore(%run_scoped3A_62 : memref<!tpu.dma_semaphore, #tpu.memory_space<semaphore_mem>>) src(%dma_wait3A_70 : memref<64x128xf32, #tpu.memory_space<hbm>>) dst(%dma_wait3A_68 : memref<64x128xf32, #tpu.memory_space<vmem_shared>>)
      tpu.yield
    }) : () -> ()
    %barrier3A = arith.constant 0 : index
    tpu.barrier barrier_id(%barrier3A)
    %run_scoped3A_31 = arith.constant 0 : i32
    "tpu.region"() ({
      %run_scoped3A_62 = tpu.sem_alloc : memref<!tpu.dma_semaphore, #tpu.memory_space<semaphore_mem>>
      %dma_start3A_63 = arith.constant 0 : i32
      %dma_start3A_64 = arith.constant 0 : i32
      %dma_start3A_65 = tpu.memref_slice %arg12[%dma_start3A_63, %dma_start3A_64] : memref<256x128xf32, #tpu.memory_space<vmem>> -> memref<128x128xf32, #tpu.memory_space<vmem>>
      %dma_start3A_66 = arith.constant 0 : i32
      %dma_start3A_67 = tpu.memref_slice %arg10[%run_scoped3A_31, %dma_start3A_66] : memref<2x128xi32, #tpu.memory_space<vmem>> -> memref<1x128xi32, #tpu.memory_space<vmem>>
      %dma_start3A_68 = tpu.memref_squeeze %dma_start3A_67 : memref<1x128xi32, #tpu.memory_space<vmem>> -> memref<128xi32, #tpu.memory_space<vmem>>
      %dma_start3A_69 = arith.constant 0 : i32
      %dma_start3A_70 = arith.constant 0 : i32
      %dma_start3A_71 = tpu.memref_slice %arg14[%dma_start3A_69, %dma_start3A_70] : memref<1024x128xf32, #tpu.memory_space<vmem_shared>> -> memref<1024x128xf32, #tpu.memory_space<vmem_shared>>
      tpu.enqueue_indirect_dma source(%dma_start3A_65 : memref<128x128xf32, #tpu.memory_space<vmem>>) target(%dma_start3A_71 : memref<1024x128xf32, #tpu.memory_space<vmem_shared>>) offsets(%dma_start3A_68 : memref<128xi32, #tpu.memory_space<vmem>>) semaphore(%run_scoped3A_62 : memref<!tpu.dma_semaphore, #tpu.memory_space<semaphore_mem>>) {add = true}
      %dma_wait3A_72 = arith.constant 0 : i32
      %dma_wait3A_73 = arith.constant 0 : i32
      %dma_wait3A_74 = tpu.memref_slice %arg12[%dma_wait3A_72, %dma_wait3A_73] : memref<256x128xf32, #tpu.memory_space<vmem>> -> memref<128x128xf32, #tpu.memory_space<vmem>>
      %dma_wait3A_75 = arith.constant 0 : i32
      %dma_wait3A_76 = tpu.memref_slice %arg10[%run_scoped3A_31, %dma_wait3A_75] : memref<2x128xi32, #tpu.memory_space<vmem>> -> memref<1x128xi32, #tpu.memory_space<vmem>>
      %dma_wait3A_77 = tpu.memref_squeeze %dma_wait3A_76 : memref<1x128xi32, #tpu.memory_space<vmem>> -> memref<128xi32, #tpu.memory_space<vmem>>
      %dma_wait3A_78 = arith.constant 0 : i32
      %dma_wait3A_79 = arith.constant 0 : i32
      %dma_wait3A_80 = tpu.memref_slice %arg14[%dma_wait3A_78, %dma_wait3A_79] : memref<1024x128xf32, #tpu.memory_space<vmem_shared>> -> memref<1024x128xf32, #tpu.memory_space<vmem_shared>>
      tpu.wait_indirect_dma semaphore(%run_scoped3A_62 : memref<!tpu.dma_semaphore, #tpu.memory_space<semaphore_mem>>) src(%dma_wait3A_74 : memref<128x128xf32, #tpu.memory_space<vmem>>) dst(%dma_wait3A_80 : memref<1024x128xf32, #tpu.memory_space<vmem_shared>>)
      tpu.yield
    }) : () -> ()
    %run_scoped3A_32 = arith.constant 1 : i32
    "tpu.region"() ({
      %run_scoped3A_62 = tpu.sem_alloc : memref<!tpu.dma_semaphore, #tpu.memory_space<semaphore_mem>>
      %dma_start3A_63 = arith.constant 128 : i32
      %dma_start3A_64 = arith.constant 0 : i32
      %dma_start3A_65 = tpu.memref_slice %arg12[%dma_start3A_63, %dma_start3A_64] : memref<256x128xf32, #tpu.memory_space<vmem>> -> memref<128x128xf32, #tpu.memory_space<vmem>>
      %dma_start3A_66 = arith.constant 0 : i32
      %dma_start3A_67 = tpu.memref_slice %arg10[%run_scoped3A_32, %dma_start3A_66] : memref<2x128xi32, #tpu.memory_space<vmem>> -> memref<1x128xi32, #tpu.memory_space<vmem>>
      %dma_start3A_68 = tpu.memref_squeeze %dma_start3A_67 : memref<1x128xi32, #tpu.memory_space<vmem>> -> memref<128xi32, #tpu.memory_space<vmem>>
      %dma_start3A_69 = arith.constant 0 : i32
      %dma_start3A_70 = arith.constant 0 : i32
      %dma_start3A_71 = tpu.memref_slice %arg14[%dma_start3A_69, %dma_start3A_70] : memref<1024x128xf32, #tpu.memory_space<vmem_shared>> -> memref<1024x128xf32, #tpu.memory_space<vmem_shared>>
      tpu.enqueue_indirect_dma source(%dma_start3A_65 : memref<128x128xf32, #tpu.memory_space<vmem>>) target(%dma_start3A_71 : memref<1024x128xf32, #tpu.memory_space<vmem_shared>>) offsets(%dma_start3A_68 : memref<128xi32, #tpu.memory_space<vmem>>) semaphore(%run_scoped3A_62 : memref<!tpu.dma_semaphore, #tpu.memory_space<semaphore_mem>>) {add = true}
      %dma_wait3A_72 = arith.constant 128 : i32
      %dma_wait3A_73 = arith.constant 0 : i32
      %dma_wait3A_74 = tpu.memref_slice %arg12[%dma_wait3A_72, %dma_wait3A_73] : memref<256x128xf32, #tpu.memory_space<vmem>> -> memref<128x128xf32, #tpu.memory_space<vmem>>
      %dma_wait3A_75 = arith.constant 0 : i32
      %dma_wait3A_76 = tpu.memref_slice %arg10[%run_scoped3A_32, %dma_wait3A_75] : memref<2x128xi32, #tpu.memory_space<vmem>> -> memref<1x128xi32, #tpu.memory_space<vmem>>
      %dma_wait3A_77 = tpu.memref_squeeze %dma_wait3A_76 : memref<1x128xi32, #tpu.memory_space<vmem>> -> memref<128xi32, #tpu.memory_space<vmem>>
      %dma_wait3A_78 = arith.constant 0 : i32
      %dma_wait3A_79 = arith.constant 0 : i32
      %dma_wait3A_80 = tpu.memref_slice %arg14[%dma_wait3A_78, %dma_wait3A_79] : memref<1024x128xf32, #tpu.memory_space<vmem_shared>> -> memref<1024x128xf32, #tpu.memory_space<vmem_shared>>
      tpu.wait_indirect_dma semaphore(%run_scoped3A_62 : memref<!tpu.dma_semaphore, #tpu.memory_space<semaphore_mem>>) src(%dma_wait3A_74 : memref<128x128xf32, #tpu.memory_space<vmem>>) dst(%dma_wait3A_80 : memref<1024x128xf32, #tpu.memory_space<vmem_shared>>)
      tpu.yield
    }) : () -> ()
    %barrier3A_33 = arith.constant 0 : index
    tpu.barrier barrier_id(%barrier3A_33)
    %mul3A_34 = arith.constant 64 : i32
    %mul3A_35 = arith.muli %arg1, %mul3A_34 : i32
    "tpu.region"() ({
      %run_scoped3A_62 = tpu.sem_alloc : memref<!tpu.dma_semaphore, #tpu.memory_space<semaphore_mem>>
      %dma_start3A_63 = arith.constant 0 : i32
      %dma_start3A_64 = tpu.memref_slice %arg14[%mul3A_35, %dma_start3A_63] : memref<1024x128xf32, #tpu.memory_space<vmem_shared>> -> memref<64x128xf32, #tpu.memory_space<vmem_shared>>
      %dma_start3A_65 = arith.constant 0 : i32
      %dma_start3A_66 = tpu.memref_slice %arg14[%mul3A_35, %dma_start3A_65] : memref<1024x128xf32, #tpu.memory_space<vmem_shared>> -> memref<64x128xf32, #tpu.memory_space<vmem_shared>>
      tpu.enqueue_dma source(%dma_start3A_66 : memref<64x128xf32, #tpu.memory_space<vmem_shared>>) target(%arg13 : memref<64x128xf32, #tpu.memory_space<vmem>>) target_semaphore(%run_scoped3A_62 : memref<!tpu.dma_semaphore, #tpu.memory_space<semaphore_mem>>)
      %dma_wait3A_67 = arith.constant 0 : i32
      %dma_wait3A_68 = tpu.memref_slice %arg14[%mul3A_35, %dma_wait3A_67] : memref<1024x128xf32, #tpu.memory_space<vmem_shared>> -> memref<64x128xf32, #tpu.memory_space<vmem_shared>>
      %dma_wait3A_69 = arith.constant 0 : i32
      %dma_wait3A_70 = tpu.memref_slice %arg14[%mul3A_35, %dma_wait3A_69] : memref<1024x128xf32, #tpu.memory_space<vmem_shared>> -> memref<64x128xf32, #tpu.memory_space<vmem_shared>>
      tpu.wait_dma2 semaphore(%run_scoped3A_62 : memref<!tpu.dma_semaphore, #tpu.memory_space<semaphore_mem>>) src(%dma_wait3A_70 : memref<64x128xf32, #tpu.memory_space<vmem_shared>>) dst(%arg13 : memref<64x128xf32, #tpu.memory_space<vmem>>)
      tpu.yield
    }) : () -> ()
    %mul3A_36 = arith.constant 1024 : i32
    %mul3A_37 = arith.muli %arg0, %mul3A_36 : i32
    %mul3A_38 = arith.constant 64 : i32
    %mul3A_39 = arith.muli %arg1, %mul3A_38 : i32
    %add3A_40 = arith.addi %mul3A_37, %mul3A_39 : i32
    "tpu.region"() ({
      %run_scoped3A_62 = tpu.sem_alloc : memref<!tpu.dma_semaphore, #tpu.memory_space<semaphore_mem>>
      %dma_start3A_63 = arith.constant 0 : i32
      %dma_start3A_64 = tpu.memref_slice %arg7[%add3A_40, %dma_start3A_63] : memref<2048x128xf32, #tpu.memory_space<hbm>> -> memref<64x128xf32, #tpu.memory_space<hbm>>
      %dma_start3A_65 = arith.constant 0 : i32
      %dma_start3A_66 = tpu.memref_slice %arg7[%add3A_40, %dma_start3A_65] : memref<2048x128xf32, #tpu.memory_space<hbm>> -> memref<64x128xf32, #tpu.memory_space<hbm>>
      tpu.enqueue_dma source(%arg13 : memref<64x128xf32, #tpu.memory_space<vmem>>) target(%dma_start3A_66 : memref<64x128xf32, #tpu.memory_space<hbm>>) target_semaphore(%run_scoped3A_62 : memref<!tpu.dma_semaphore, #tpu.memory_space<semaphore_mem>>)
      %dma_wait3A_67 = arith.constant 0 : i32
      %dma_wait3A_68 = tpu.memref_slice %arg7[%add3A_40, %dma_wait3A_67] : memref<2048x128xf32, #tpu.memory_space<hbm>> -> memref<64x128xf32, #tpu.memory_space<hbm>>
      %dma_wait3A_69 = arith.constant 0 : i32
      %dma_wait3A_70 = tpu.memref_slice %arg7[%add3A_40, %dma_wait3A_69] : memref<2048x128xf32, #tpu.memory_space<hbm>> -> memref<64x128xf32, #tpu.memory_space<hbm>>
      tpu.wait_dma2 semaphore(%run_scoped3A_62 : memref<!tpu.dma_semaphore, #tpu.memory_space<semaphore_mem>>) src(%arg13 : memref<64x128xf32, #tpu.memory_space<vmem>>) dst(%dma_wait3A_70 : memref<64x128xf32, #tpu.memory_space<hbm>>)
      tpu.yield
    }) : () -> ()
    %dma_wait3A = arith.constant 0 : i32
    %dma_wait3A_41 = arith.constant 0 : i32
    %dma_wait3A_42 = arith.constant 0 : i32
    %dma_wait3A_43 = tpu.memref_slice %arg11[%dma_wait3A_41, %dma_wait3A_42] : memref<256x256xf32, #tpu.memory_space<vmem>> -> memref<128x256xf32, #tpu.memory_space<vmem>>
    %dma_wait3A_44 = arith.constant 0 : i32
    %dma_wait3A_45 = tpu.memref_slice %arg8[%dma_wait3A, %dma_wait3A_44] : memref<2x128xi32, #tpu.memory_space<vmem>> -> memref<1x128xi32, #tpu.memory_space<vmem>>
    %dma_wait3A_46 = tpu.memref_squeeze %dma_wait3A_45 : memref<1x128xi32, #tpu.memory_space<vmem>> -> memref<128xi32, #tpu.memory_space<vmem>>
    %dma_wait3A_47 = arith.constant 0 : i32
    %dma_wait3A_48 = arith.constant 0 : i32
    %dma_wait3A_49 = tpu.memref_slice %arg2[%dma_wait3A_47, %dma_wait3A_48] : memref<8192x256xf32, #tpu.memory_space<hbm>> -> memref<8192x256xf32, #tpu.memory_space<hbm>>
    tpu.wait_indirect_dma semaphore(%arg15 : memref<!tpu.dma_semaphore, #tpu.memory_space<semaphore_mem>>) src(%dma_wait3A_49 : memref<8192x256xf32, #tpu.memory_space<hbm>>) dst(%dma_wait3A_43 : memref<128x256xf32, #tpu.memory_space<vmem>>)
    %dma_wait3A_50 = arith.constant 1 : i32
    %dma_wait3A_51 = arith.constant 128 : i32
    %dma_wait3A_52 = arith.constant 0 : i32
    %dma_wait3A_53 = tpu.memref_slice %arg11[%dma_wait3A_51, %dma_wait3A_52] : memref<256x256xf32, #tpu.memory_space<vmem>> -> memref<128x256xf32, #tpu.memory_space<vmem>>
    %dma_wait3A_54 = arith.constant 0 : i32
    %dma_wait3A_55 = tpu.memref_slice %arg8[%dma_wait3A_50, %dma_wait3A_54] : memref<2x128xi32, #tpu.memory_space<vmem>> -> memref<1x128xi32, #tpu.memory_space<vmem>>
    %dma_wait3A_56 = tpu.memref_squeeze %dma_wait3A_55 : memref<1x128xi32, #tpu.memory_space<vmem>> -> memref<128xi32, #tpu.memory_space<vmem>>
    %dma_wait3A_57 = arith.constant 0 : i32
    %dma_wait3A_58 = arith.constant 0 : i32
    %dma_wait3A_59 = tpu.memref_slice %arg2[%dma_wait3A_57, %dma_wait3A_58] : memref<8192x256xf32, #tpu.memory_space<hbm>> -> memref<8192x256xf32, #tpu.memory_space<hbm>>
    tpu.wait_indirect_dma semaphore(%arg15 : memref<!tpu.dma_semaphore, #tpu.memory_space<semaphore_mem>>) src(%dma_wait3A_59 : memref<8192x256xf32, #tpu.memory_space<hbm>>) dst(%dma_wait3A_53 : memref<128x256xf32, #tpu.memory_space<vmem>>)
    %mul3A_60 = arith.constant 256 : i32
    %mul3A_61 = arith.muli %add3A, %mul3A_60 : i32
    "tpu.region"() ({
      %run_scoped3A_62 = tpu.sem_alloc : memref<!tpu.dma_semaphore, #tpu.memory_space<semaphore_mem>>
      %dma_start3A_63 = arith.constant 0 : i32
      %dma_start3A_64 = tpu.memref_slice %arg6[%mul3A_61, %dma_start3A_63] : memref<8192x256xf32, #tpu.memory_space<hbm>> -> memref<256x256xf32, #tpu.memory_space<hbm>>
      %dma_start3A_65 = arith.constant 0 : i32
      %dma_start3A_66 = tpu.memref_slice %arg6[%mul3A_61, %dma_start3A_65] : memref<8192x256xf32, #tpu.memory_space<hbm>> -> memref<256x256xf32, #tpu.memory_space<hbm>>
      tpu.enqueue_dma source(%arg11 : memref<256x256xf32, #tpu.memory_space<vmem>>) target(%dma_start3A_66 : memref<256x256xf32, #tpu.memory_space<hbm>>) target_semaphore(%run_scoped3A_62 : memref<!tpu.dma_semaphore, #tpu.memory_space<semaphore_mem>>)
      %dma_wait3A_67 = arith.constant 0 : i32
      %dma_wait3A_68 = tpu.memref_slice %arg6[%mul3A_61, %dma_wait3A_67] : memref<8192x256xf32, #tpu.memory_space<hbm>> -> memref<256x256xf32, #tpu.memory_space<hbm>>
      %dma_wait3A_69 = arith.constant 0 : i32
      %dma_wait3A_70 = tpu.memref_slice %arg6[%mul3A_61, %dma_wait3A_69] : memref<8192x256xf32, #tpu.memory_space<hbm>> -> memref<256x256xf32, #tpu.memory_space<hbm>>
      tpu.wait_dma2 semaphore(%run_scoped3A_62 : memref<!tpu.dma_semaphore, #tpu.memory_space<semaphore_mem>>) src(%arg11 : memref<256x256xf32, #tpu.memory_space<vmem>>) dst(%dma_wait3A_70 : memref<256x256xf32, #tpu.memory_space<hbm>>)
      tpu.yield
    }) : () -> ()
    return
  }
}

</mosaic_0001>

<sc_bundles>
// kernel: _sc_gather_count.3.cloned.1.call-start
scs
__scs_entry_jumppad:
0x0: {  	(pc) =	sbr.rel $0x88, $3  }
0x1: {  	(tag) =	ssettag $0x0;
	lr =	simm.s32 $0x1  }
0x2: {  	[smem:$0x3F9D] =	sst lr;
	_ =	strace $0xD0000000  }
0x3: {  	_ = 	snop  }
0x4: {  	_ = 	snop  }
0x5: {  	_ = 	snop  }
0x6: {  	_ = 	snop  }
0x7: {  	_ = 	snop  }
__scs_overlays_trampoline_lowered:
0x8: {  	[smem:$0x3FAC] =	sst s0  }
0x9: {  	[smem:$0x3FAD] =	sst s1  }
0xa: {  	[smem:$0x3FAE] =	sst s2  }
0xb: {  	[smem:$0x3FAF] =	sst s3  }
0xc: {  	[smem:$0x3FB0] =	sst s4  }
0xd: {  	[smem:$0x3FB1] =	sst s5  }
0xe: {  	[smem:$0x3FB2] =	sst s6  }
0xf: {  	[smem:$0x3FB3] =	sst s7  }
0x10: {  	[smem:$0x3FB4] =	sst s8  }
0x11: {  	[smem:$0x3FB5] =	sst s9;
	s0 =	simm.s32 @!p0 $0x0  }
0x12: {  	s1 =	sld [smem:$0x3F9B];
	s0 =	simm.s32 @p0 $0x1  }
0x13: {  	[smem:$0x3FB6] =	sst s0;
	s0 =	simm.s32 @!p1 $0x0  }
0x14: {  	s2 =	sld [smem:$0x3F9A];
	s0 =	simm.s32 @p1 $0x1  }
0x15: {  	[smem:$0x3FB7] =	sst s0;
	s0 =	simm.s32 @!p2 $0x0  }
0x16: {  	s3 =	sld [smem:$0x3FDB];
	s0 =	simm.s32 @p2 $0x1  }
0x17: {  	s4 =	simm.s32 $0x1BF5;
	[smem:$0x3FB9] =	sst s0  }
0x18: {  	s0 =	sld [smem:$0x3F9C];
	_ =	swait.ge [sflag:s4], $0x0  }
0x19: {  	s7 =	sld [smem:$0x3F9D]  }
0x1a: {  	s8 =	sadd.s32 $0xFFFFE003, lr  }
0x1b: {  	s9 =	sadd.s32 $0xFFFFFEF7, lr;
	s5 =	simm.s32 $0xFFFFFFFF;
	p2 =	slt.u32 s8, $0xFFFFF086  }
0x1c: {  	p1 =	slt.u32 s9, $0xF7A;
	s5 =	simm.s32 @!p2 $0x0  }
0x1d: {  	s5 =	simm.s32 @p1 $0x1;
	p0 =	seq.s32 s7, s2  }
0x1e: {  	s7 =	smul.u32 @!p0 $0xF7A, s2;
	p2 =	seq.s32 @!p0 s5, $0x0  }
0x1f: {  	s9 =	smul.u32 $0xF7A, s1;
	s8 =	simm.s32 @!p0 $0x1BF5;
	p2 =	por !p2, p0  }
0x20: {  	[sflag:s8] =	ssyncset.s32 @!p0 $0xFFFFF086;
	s6 =	sadd.s32 @!p0 s3, s7;
	s7 =	simm.s32 @!p0 $0x108  }
0x21: {  	s3 =	sadd.s32 s3, s9;
	s6 =	sadd.s32 @!p0 $0x88, s6;
	s7 =	simm.s32 @p2 $0x1082  }
0x22: {  	[simem:s7], [sflag:s8] =	dma.local @!p0 [hbm:s6], $0xF7A  }
0x23: {  	s9 =	sor.u32 $0xD0000000, s2;
	s6 =	simm.s32 $0x108;
	_ =	swait.ge @!p0 [sflag:s8], $0x0  }
0x24: {  	s3 =	sadd.s32 $0x88, s3;
	s6 =	simm.s32 @!p1 $0x1082;
	[sflag:s4] =	ssyncset.s32 $0xFFFFF086  }
0x25: {  	[simem:s6], [sflag:s4] =	dma.local [hbm:s3], $0xF7A  }
0x26: {  	[smem:$0x3F9D] =	sst s1;
	(tag) =	ssettag s2;
	_ =	strace s9  }
0x27: {  	s1 =	sld [smem:$0x3FAD]  }
0x28: {  	s2 =	sld [smem:$0x3FAE]  }
0x29: {  	s4 =	sld [smem:$0x3FB0]  }
0x2a: {  	p0 =	seq.s32 s5, $0x0;
	s5 =	sld [smem:$0x3FB1]  }
0x2b: {  	s6 =	sld [smem:$0x3FB2]  }
0x2c: {  	s7 =	sld [smem:$0x3FB3]  }
0x2d: {  	s3 =	simm.s32 $0x108;
	s8 =	sld [smem:$0x3FB4]  }
0x2e: {  	s3 =	simm.s32 @!p0 $0x1082;
	s9 =	sld [smem:$0x3FB5]  }
0x2f: {  	lr =	sadd.s32 s0, s3;
	s0 =	sld [smem:$0x3FAC]  }
0x30: {  	s3 =	sld [smem:$0x3FAF]  }
0x31: {  	[smem:$0x3FB8] =	sst s10  }
0x32: {  	s10 =	sld [smem:$0x3FB6];
	_ =	sdelay $0x3  }
0x33: {  	p0 =	seq.s32 s10, $0x1;
	s10 =	sld [smem:$0x3FB8];
	_ =	sdelay $0x3  }
0x34: {  	[smem:$0x3FB8] =	sst s10  }
0x35: {  	s10 =	sld [smem:$0x3FB7];
	_ =	sdelay $0x3  }
0x36: {  	p1 =	seq.s32 s10, $0x1;
	s10 =	sld [smem:$0x3FB8];
	_ =	sdelay $0x3  }
0x37: {  	[smem:$0x3FB8] =	sst s10  }
0x38: {  	s10 =	sld [smem:$0x3FB9]  }
0x39: {  	_ = 	snop;
	(pc) =	sbr.ind lr, $3  }
0x3a: {  	_ = 	snop  }
0x3b: {  	_ = 	snop  }
0x3c: {  	p2 =	seq.s32 s10, $0x1;
	s10 =	sld [smem:$0x3FB8]  }
0x3d: {  	_ =	shalt  }
0x3e: {  	_ =	shalt  }
0x3f: {  	_ =	shalt  }
0x40: {  	_ =	shalt  }
0x41: {  	_ =	shalt  }
0x42: {  	_ =	shalt  }
0x43: {  	_ =	shalt  }
0x44: {  	_ =	shalt  }
0x45: {  	_ =	shalt  }
0x46: {  	_ =	shalt  }
0x47: {  	_ =	shalt  }
0x48: {  	_ =	shalt  }
0x49: {  	_ =	shalt  }
0x4a: {  	_ =	shalt  }
0x4b: {  	_ =	shalt  }
0x4c: {  	_ =	shalt  }
0x4d: {  	_ =	shalt  }
0x4e: {  	_ =	shalt  }
0x4f: {  	_ =	shalt  }
0x50: {  	_ =	shalt  }
0x51: {  	_ =	shalt  }
0x52: {  	_ =	shalt  }
0x53: {  	_ =	shalt  }
0x54: {  	_ =	shalt  }
0x55: {  	_ =	shalt  }
0x56: {  	_ =	shalt  }
0x57: {  	_ =	shalt  }
0x58: {  	_ =	shalt  }
0x59: {  	_ =	shalt  }
0x5a: {  	_ =	shalt  }
0x5b: {  	_ =	shalt  }
0x5c: {  	_ =	shalt  }
0x5d: {  	_ =	shalt  }
0x5e: {  	_ =	shalt  }
0x5f: {  	_ =	shalt  }
0x60: {  	_ =	shalt  }
0x61: {  	_ =	shalt  }
0x62: {  	_ =	shalt  }
0x63: {  	_ =	shalt  }
0x64: {  	_ =	shalt  }
0x65: {  	_ =	shalt  }
0x66: {  	_ =	shalt  }
0x67: {  	_ =	shalt  }
0x68: {  	_ =	shalt  }
0x69: {  	_ =	shalt  }
0x6a: {  	_ =	shalt  }
0x6b: {  	_ =	shalt  }
0x6c: {  	_ =	shalt  }
0x6d: {  	_ =	shalt  }
0x6e: {  	_ =	shalt  }
0x6f: {  	_ =	shalt  }
0x70: {  	_ =	shalt  }
0x71: {  	_ =	shalt  }
0x72: {  	_ =	shalt  }
0x73: {  	_ =	shalt  }
0x74: {  	_ =	shalt  }
0x75: {  	_ =	shalt  }
0x76: {  	_ =	shalt  }
0x77: {  	_ =	shalt  }
0x78: {  	_ =	shalt  }
0x79: {  	_ =	shalt  }
0x7a: {  	_ =	shalt  }
0x7b: {  	_ =	shalt  }
0x7c: {  	_ =	shalt  }
0x7d: {  	_ =	shalt  }
0x7e: {  	_ =	shalt  }
0x7f: {  	_ =	shalt  }
0x80: {  	_ =	shalt  }
0x81: {  	_ =	shalt  }
0x82: {  	_ =	shalt  }
0x83: {  	_ =	shalt  }
0x84: {  	_ =	shalt  }
0x85: {  	_ =	shalt  }
0x86: {  	_ =	shalt  }
0x87: {  	_ =	shalt  }
.Lfunc_end0:
.L_simem_size_0:
called_computation_lowered:
.L_overlay_start_0:
0x88: {  	s2 =	sld [smem:$0x3FD9]  }
0x89: {  	s3 =	sld [smem:$0x3FFE];
	_ =	sdelay $0x1  }
0x8a: {  	s1 =	srdreg.scid  }
0x8b: {  	s0 =	sand.u32 $0x1, s1  }
0x8c: {  	s15 =	sshll.u32 s0, $0xA;
	s2 =	sadd.s32 s3, s2  }
0x8d: {  	s2 =	sadd.s32 s2, s15  }
0x8e: {  	[smem:$0x3FC4] =	sst s2  }
0x8f: {  	_ = 	snop  }
0x90: {  	s2 =	sld [smem:$0x3FC9]  }
0x91: {  	s16 =	sld [smem:$0x3FD0]  }
0x92: {  	s4 =	sld [smem:$0x3FC8]  }
0x93: {  	s5 =	sld [smem:$0x3FC7]  }
0x94: {  	s7 =	simm.s32 $0xA;
	s8 =	simm.s32 $0x10;
	s6 =	sld [smem:$0x3FC6]  }
0x95: {  	[smem:s8], [sflag:s7] =	dma.local [hbm:s16], $0x1  }
0x96: {  	_ =	swait.eq [sflag:s7], $0x1  }
0x97: {  	[sflag:s7] =	ssyncset.done $0x0  }
0x98: {  	s17 =	sld [smem:$0x10];
	[sflag:s7] =	ssyncadd.s32 $0xFFFFFFFF  }
0x99: {  	s18 =	sld [smem:$0x11];
	(tm) =	ssettm $0x1  }
0x9a: {  	s19 =	sld [smem:$0x3FFB];
	_ =	sdelay $0x3  }
0x9b: {  	_ =	strace s19  }
0x9c: {  	s8 =	sld [smem:$0x3FFC];
	_ =	sdelay $0x3  }
0x9d: {  	_ =	strace s8  }
0x9e: {  	s8 =	sld [smem:$0x3FFD];
	_ =	sdelay $0x3  }
0x9f: {  	_ =	strace s8  }
0xa0: {  	_ =	strace $0x8FFFFFFF  }
0xa1: {  	s20 =	sld [smem:$0x3FDB];
	_ =	sdelay $0x1  }
0xa2: {  	s9 =	simm.s32 $_scs_section_size  }
0xa3: {  	s10 =	simm.s32 $_size__tile_overlayer_lowered;
	s11 =	simm.s32 $_tile_overlayer_lowered  }
0xa4: {  	s23 =	simm.s32 $0x1BFF;
	s22 =	sshll.u32 s11, $0x1;
	s8 =	sadd.s32 s9, s20  }
0xa5: {  	s12 =	simm.s32 $0x0;
	s21 =	sshll.u32 s10, $0x1;
	s10 =	sadd.s32 s22, s8  }
0xa6: {  	[timem:s12], [sflag:s23] =	dma.local [hbm:s10], s21  }
0xa7: {  	_ =	swait.ge [sflag:s23], s21  }
0xa8: {  	s9 =	ssub.s32 $0x0, s21;
	[sflag:s23] =	ssyncset.done $0x0  }
0xa9: {  	[sflag:s23] =	ssyncadd.s32 s9;
	_ =	sdelay $0x1  }
0xaa: {  	s24 =	simm.s32 $0x1B8B  }
0xab: {  	_ =	swait.ge [sflag:s24], $0x1  }
0xac: {  	[sflag:s24] =	ssyncset.done $0x0  }
0xad: {  	s25 =	simm.s32 $0x1B8E;
	[sflag:s24] =	ssyncadd.s32 $0xFFFFFFFF  }
0xae: {  	s26 =	simm.s32 $execute0_lowered;
	[smem:$0x3FD2] =	sst s25  }
0xaf: {  	s9 =	sshll.u32 s26, $0x1;
	_ =	strace $0x80000046;
	[dreg:$0x1] =	wrdreg $0xFFFFFFFF  }
0xb0: {  	s28 =	simm.s32 $_size_execute0_lowered;
	s8 =	sadd.s32 s8, s9;
	[dreg:$0x0] =	wrdreg $0x0  }
0xb1: {  	s9 =	sshll.u32 s28, $0x1;
	[dreg:$0x2] =	wrdreg s8  }
0xb2: {  	[dreg:$0x3] =	wrdreg s9  }
0xb3: {  	[dreg:$0x4] =	wrdreg $0xC0  }
0xb4: {  	_ =	task [dreg:s12], $0x5FFFF  }
0xb5: {  	[dreg:$0x1] =	wrdreg $0xFFFFFFFF  }
0xb6: {  	[dreg:$0x0] =	wrdreg $0x60  }
0xb7: {  	[dreg:$0x2] =	wrdreg s2  }
0xb8: {  	[dreg:$0x3] =	wrdreg s4  }
0xb9: {  	[dreg:$0x4] =	wrdreg s5  }
0xba: {  	[dreg:$0x5] =	wrdreg s6  }
0xbb: {  	[dreg:$0x6] =	wrdreg s17  }
0xbc: {  	[dreg:$0x7] =	wrdreg s18  }
0xbd: {  	[dreg:$0x8] =	wrdreg $0x1A3000  }
0xbe: {  	[dreg:$0x9] =	wrdreg $0x9  }
0xbf: {  	_ =	task.clear_ibuf [dreg:s12], $0xAFFFF;
	_ =	strace $0x90000046  }
0xc0: {  	s29 =	simm.s32 $0x9;
	_ =	strace $0x80000048  }
0xc1: {  	_ =	swait.ge [sflag:s29], $0x1  }
0xc2: {  	[sflag:s29] =	ssyncadd.s32 $0xFFFFFFFF  }
0xc3: {  	_ =	strace $0x90000048  }
0xc4: {  	_ =	sfence  }
0xc5: {  	s30 =	sld [smem:$0x0];
	_ =	sdelay $0x2  }
0xc6: {  	s31 =	sshll.u32 s1, $0xD;
	s1 =	sshrl.u32 s1, $0x2  }
0xc7: {  	s3 =	sand.u32 $0x4000, s31;
	s1 =	sadd.s32 s1, s30  }
0xc8: {  	s0 =	sor.u32 s3, s0;
	s1 =	sshll.u32 s1, $0x11  }
0xc9: {  	s0 =	sor.u32 s1, s0  }
0xca: {  	s0 =	sadd.s32 $0x8F2B, s0  }
0xcb: {  	[sflag:s0] =	ssyncadd.remote.s32 $0x1  }
0xcc: {  	_ =	sfence.sel $0xFFFF  }
0xcd: {  	[dreg:$0x0] =	wrdreg $0xFFFFFFFF;
	(pc) =	sbr.abs _section_cstart, $3  }
0xce: {  	[dreg:$0x1] =	wrdreg $0xFFFFFFFF  }
0xcf: {  	_ =	task.clear_ibuf [dreg:s12], $0x2FFFF;
	_ =	strace $0x9FFFFFFF  }
0xd0: {  	(tm) =	ssettm $0x7FFFFFFF  }
0xd1: {  	_ =	shalt  }
tec
execute0_lowered:
.L_overlay_start_1:
0x0: {  	(tag) =	ssettag $0x1  }
0x1: {  	s0 =	rddreg [dreg:$0x0]  }
0x2: {  	s6 =	rddreg [dreg:$0x1]  }
0x3: {  	s7 =	rddreg [dreg:$0x2]  }
0x4: {  	s2 =	rddreg [dreg:$0x3]  }
0x5: {  	s8 =	rddreg [dreg:$0x4]  }
0x6: {  	s9 =	rddreg [dreg:$0x5]  }
0x7: {  	s3 =	srdreg.scid;
	s4 =	rddreg [dreg:$0x6]  }
0x8: {  	s5 =	simm.s32 $0x0;
	s10 =	sand.u32 $0x1, s3;
	s3 =	rddreg [dreg:$0x7]  }
0x9: {  	s29 =	simm.s32 $0xB00;
	[smem:$0x7FF] =	sst s5  }
0xa: {  	s30 =	simm.s32 $0x1300;
	_ =	strace $0x80000047;
	[dreg:$0xc] =	wrdreg s29  }
0xb: {  	s31 =	simm.s32 $0x1B00;
	[dreg:$0xd] =	wrdreg s30  }
0xc: {  	s13 =	simm.s32 $0x4B00;
	[dreg:$0xe] =	wrdreg s31  }
0xd: {  	s14 =	simm.s32 $0x5300;
	[dreg:$0x14] =	wrdreg s13  }
0xe: {  	s15 =	simm.s32 $0x5B00;
	[dreg:$0x15] =	wrdreg s14  }
0xf: {  	s1 =	stileid.u32;
	s16 =	simm.s32 $0x6300;
	[dreg:$0x16] =	wrdreg s15  }
0x10: {  	s17 =	simm.s32 $0x6B00;
	s18 =	simm.s32 $0x7300;
	[dreg:$0x17] =	wrdreg s16  }
0x11: {  	s19 =	simm.s32 $0x7B00;
	s20 =	simm.s32 $0x8300;
	[dreg:$0x18] =	wrdreg s17  }
0x12: {  	s22 =	simm.s32 $0x8B00;
	s28 =	simm.s32 $0x1;
	[dreg:$0x19] =	wrdreg s18  }
0x13: {  	s11 =	sshll.u32 s1, $0x1;
	s23 =	sshll.u32 s1, $0xA;
	[dreg:$0x1a] =	wrdreg s19  }
0x14: {  	s11 =	sor.u32 s10, s11;
	s7 =	sadd.s32 s7, s23;
	[dreg:$0x1b] =	wrdreg s20  }
0x15: {  	s24 =	sshll.u32 s10, $0xE;
	s21 =	ssub.s32 $0x2, s10;
	[dreg:$0x1c] =	wrdreg s22  }
0x16: {  	s29 =	simm.s32 $0xA300;
	s30 =	simm.s32 $0xAB00;
	s31 =	simm.s32 $0xB300  }
0x17: {  	s10 =	simm.s32 $0xBB00;
	s13 =	simm.s32 $0xD300;
	s14 =	simm.s32 $0xDB00  }
0x18: {  	s15 =	simm.s32 $0xE300;
	s16 =	simm.s32 $0xEB00;
	[dreg:$0x9] =	wrdreg s7  }
0x19: {  	s17 =	simm.s32 $0xF300;
	s18 =	simm.s32 $0xFB00;
	[dreg:$0x1f] =	wrdreg s29  }
0x1a: {  	s19 =	simm.s32 $0x80;
	s20 =	simm.s32 $0x100;
	[smem:$0x7FC] =	sst s30  }
0x1b: {  	s12 =	sshll.u32 s11, $0x5;
	s7 =	simm.s32 $0x2300;
	[smem:$0x7FD] =	sst s31  }
0x1c: {  	s25 =	sshll.u32 s11, $0xD;
	s11 =	simm.s32 $0x3B00;
	[dreg:$0xf] =	wrdreg s7  }
0x1d: {  	s22 =	simm.s32 $0x180;
	s6 =	sadd.s32 s6, s12;
	[dreg:$0x12] =	wrdreg s11  }
0x1e: {  	s26 =	sadd.s32 s8, s25;
	s8 =	simm.s32 $0x2B00;
	[dreg:$0x8] =	wrdreg s6  }
0x1f: {  	s12 =	simm.s32 $0x4300;
	s25 =	simm.s32 $0x9B00;
	[dreg:$0xb] =	wrdreg s26  }
0x20: {  	s11 =	simm.s32 $0xC300;
	s6 =	sadd.s32 s9, s23;
	[dreg:$0x10] =	wrdreg s8  }
0x21: {  	s9 =	simm.s32 $0x3300;
	[dreg:$0x13] =	wrdreg s12;
	s23 =	sshrl.u32 s21, $0x1  }
0x22: {  	s26 =	sshll.u32 s1, $0xD;
	[dreg:$0x1e] =	wrdreg s25;
	s8 =	simm.s32 $0x2  }
0x23: {  	s12 =	simm.s32 $0xCB00;
	s25 =	simm.s32 $0x280;
	s6 =	sadd.s32 s24, s6  }
0x24: {  	[dreg:$0x11] =	wrdreg s9;
	s24 =	simm.s32 $0x9300;
	s7 =	ssub.s32 s21, s23  }
0x25: {  	v2 =	vlaneseq.u32;
	s9 =	simm.s32 $0x300;
	s21 =	simm.s32 $0x10300;
	[dreg:$0xa] =	wrdreg s6  }
0x26: {  	vm0 =	vmmov $0xffff;
	v1 =	vshrl.u32 v2, $0x3;
	s23 =	simm.s32 $0x14300;
	[dreg:$0x1d] =	wrdreg s24;
	s6 =	sadd.s32 s26, s4  }
0x27: {  	v0 =	vand.u32 $0x7, v2;
	v2 =	vor.u32 $0x8, v2;
	v1 =	vmul.u32 $0x8, v1;
	s7 =	smax.u32 s7, $0x1;
	s24 =	simm.s32 $0x200;
	s26 =	simm.s32 $0x18300  }
.LBB2_1:
0x28: {  	s29 =	rddreg [dreg:$0x8]  }
0x29: {  	[tilespmem:s5], [sflag:$0x2] =	stream.linear.gather [hbm4b:s29+s5], $0x100, $0x38;
	[tilespmem:$0x1C300] =	vst v63  }
0x2a: {  	_ =	swait.ge [sflag:s8], $0x100  }
0x2b: {  	[sflag:s8] =	ssyncset.done $0x0  }
0x2c: {  	[sflag:s8] =	ssyncadd.s32 $0xFFFFFF00  }
0x2d: {  	v3 =	vld [tilespmem:$0x0];
	_ =	sdelay $0x4  }
0x2e: {  	v4 =	vshll.u32 v3, $0x1  }
0x2f: {  	v3 =	vand.u32 $0x7, v3;
	v4 =	vand.u32 $0xFFFFFFF0, v4  }
0x30: {  	v3 =	vor.u32 v3, v4  }
0x31: {  	v4 =	vperm.xlane v3, v0;
	_ =	sdelay $0x1  }
0x32: {  	v3 =	vperm.xlane v3, v2;
	v4 =	vadd.s32 v1, v4;
	_ =	sdelay $0x1  }
0x33: {  	v3 =	vadd.s32 v1, v3;
	_ =	sdelay $0x2  }
0x34: {  	[tilespmem:s9], [sflag:$0x1] =	stream.indirect_vreg.gather [hbm4b:s0+s5], $0x80, v4, vm0, $0xb8;
	[tilespmem:$0x1C300] =	vst v63  }
0x35: {  	s30 =	rddreg [dreg:$0xc]  }
0x36: {  	[tilespmem:s30], [sflag:$0x1] =	stream.indirect_vreg.gather [hbm4b:s0+s5], $0x80, v3, vm0, $0xb8;
	[tilespmem:$0x1C300] =	vst v63  }
0x37: {  	v3 =	vld [tilespmem:$0x10];
	_ =	sdelay $0x4  }
0x38: {  	v36 =	vshll.u32 v3, $0x1  }
0x39: {  	v3 =	vand.u32 $0x7, v3;
	v4 =	vand.u32 $0xFFFFFFF0, v36  }
0x3a: {  	v3 =	vor.u32 v3, v4  }
0x3b: {  	v4 =	vperm.xlane v3, v0;
	_ =	sdelay $0x1  }
0x3c: {  	v3 =	vperm.xlane v3, v2;
	v4 =	vadd.s32 v1, v4;
	_ =	sdelay $0x1  }
0x3d: {  	v3 =	vadd.s32 v1, v3;
	_ =	sdelay $0x1  }
0x3e: {  	s31 =	rddreg [dreg:$0xd]  }
0x3f: {  	[tilespmem:s31], [sflag:$0x1] =	stream.indirect_vreg.gather [hbm4b:s0+s5], $0x80, v4, vm0, $0xb8;
	[tilespmem:$0x1C300] =	vst v63  }
0x40: {  	s30 =	rddreg [dreg:$0xe]  }
0x41: {  	[tilespmem:s30], [sflag:$0x1] =	stream.indirect_vreg.gather [hbm4b:s0+s5], $0x80, v3, vm0, $0xb8;
	[tilespmem:$0x1C300] =	vst v63  }
0x42: {  	v3 =	vld [tilespmem:$0x20];
	_ =	sdelay $0x4  }
0x43: {  	v37 =	vshll.u32 v3, $0x1  }
0x44: {  	v3 =	vand.u32 $0x7, v3;
	v4 =	vand.u32 $0xFFFFFFF0, v37  }
0x45: {  	v3 =	vor.u32 v3, v4  }
0x46: {  	v4 =	vperm.xlane v3, v0;
	_ =	sdelay $0x1  }
0x47: {  	v3 =	vperm.xlane v3, v2;
	v4 =	vadd.s32 v1, v4;
	_ =	sdelay $0x1  }
0x48: {  	v3 =	vadd.s32 v1, v3;
	_ =	sdelay $0x1  }
0x49: {  	s29 =	rddreg [dreg:$0xf]  }
0x4a: {  	[tilespmem:s29], [sflag:$0x1] =	stream.indirect_vreg.gather [hbm4b:s0+s5], $0x80, v4, vm0, $0xb8;
	[tilespmem:$0x1C300] =	vst v63  }
0x4b: {  	s31 =	rddreg [dreg:$0x10]  }
0x4c: {  	[tilespmem:s31], [sflag:$0x1] =	stream.indirect_vreg.gather [hbm4b:s0+s5], $0x80, v3, vm0, $0xb8;
	[tilespmem:$0x1C300] =	vst v63  }
0x4d: {  	v3 =	vld [tilespmem:$0x30];
	_ =	sdelay $0x4  }
0x4e: {  	v38 =	vshll.u32 v3, $0x1  }
0x4f: {  	v3 =	vand.u32 $0x7, v3;
	v4 =	vand.u32 $0xFFFFFFF0, v38  }
0x50: {  	v3 =	vor.u32 v3, v4  }
0x51: {  	v4 =	vperm.xlane v3, v0;
	_ =	sdelay $0x1  }
0x52: {  	v3 =	vperm.xlane v3, v2;
	v4 =	vadd.s32 v1, v4;
	_ =	sdelay $0x1  }
0x53: {  	v3 =	vadd.s32 v1, v3;
	_ =	sdelay $0x1  }
0x54: {  	s29 =	rddreg [dreg:$0x11]  }
0x55: {  	[tilespmem:s29], [sflag:$0x1] =	stream.indirect_vreg.gather [hbm4b:s0+s5], $0x80, v4, vm0, $0xb8;
	[tilespmem:$0x1C300] =	vst v63  }
0x56: {  	s31 =	rddreg [dreg:$0x12]  }
0x57: {  	[tilespmem:s31], [sflag:$0x1] =	stream.indirect_vreg.gather [hbm4b:s0+s5], $0x80, v3, vm0, $0xb8;
	[tilespmem:$0x1C300] =	vst v63  }
0x58: {  	v3 =	vld [tilespmem:$0x40];
	_ =	sdelay $0x4  }
0x59: {  	v39 =	vshll.u32 v3, $0x1  }
0x5a: {  	v3 =	vand.u32 $0x7, v3;
	v4 =	vand.u32 $0xFFFFFFF0, v39  }
0x5b: {  	v3 =	vor.u32 v3, v4  }
0x5c: {  	v4 =	vperm.xlane v3, v0;
	_ =	sdelay $0x1  }
0x5d: {  	v3 =	vperm.xlane v3, v2;
	v4 =	vadd.s32 v1, v4;
	_ =	sdelay $0x1  }
0x5e: {  	v3 =	vadd.s32 v1, v3;
	_ =	sdelay $0x1  }
0x5f: {  	s29 =	rddreg [dreg:$0x13]  }
0x60: {  	[tilespmem:s29], [sflag:$0x1] =	stream.indirect_vreg.gather [hbm4b:s0+s5], $0x80, v4, vm0, $0xb8;
	[tilespmem:$0x1C300] =	vst v63  }
0x61: {  	s31 =	rddreg [dreg:$0x14]  }
0x62: {  	[tilespmem:s31], [sflag:$0x1] =	stream.indirect_vreg.gather [hbm4b:s0+s5], $0x80, v3, vm0, $0xb8;
	[tilespmem:$0x1C300] =	vst v63  }
0x63: {  	v3 =	vld [tilespmem:$0x50];
	_ =	sdelay $0x4  }
0x64: {  	v40 =	vshll.u32 v3, $0x1  }
0x65: {  	v3 =	vand.u32 $0x7, v3;
	v4 =	vand.u32 $0xFFFFFFF0, v40  }
0x66: {  	v3 =	vor.u32 v3, v4  }
0x67: {  	v4 =	vperm.xlane v3, v0;
	_ =	sdelay $0x1  }
0x68: {  	v3 =	vperm.xlane v3, v2;
	v4 =	vadd.s32 v1, v4;
	_ =	sdelay $0x1  }
0x69: {  	v3 =	vadd.s32 v1, v3;
	_ =	sdelay $0x1  }
0x6a: {  	s29 =	rddreg [dreg:$0x15]  }
0x6b: {  	[tilespmem:s29], [sflag:$0x1] =	stream.indirect_vreg.gather [hbm4b:s0+s5], $0x80, v4, vm0, $0xb8;
	[tilespmem:$0x1C300] =	vst v63  }
0x6c: {  	s31 =	rddreg [dreg:$0x16]  }
0x6d: {  	[tilespmem:s31], [sflag:$0x1] =	stream.indirect_vreg.gather [hbm4b:s0+s5], $0x80, v3, vm0, $0xb8;
	[tilespmem:$0x1C300] =	vst v63  }
0x6e: {  	v3 =	vld [tilespmem:$0x60];
	_ =	sdelay $0x4  }
0x6f: {  	v41 =	vshll.u32 v3, $0x1  }
0x70: {  	v3 =	vand.u32 $0x7, v3;
	v4 =	vand.u32 $0xFFFFFFF0, v41  }
0x71: {  	v3 =	vor.u32 v3, v4  }
0x72: {  	v4 =	vperm.xlane v3, v0;
	_ =	sdelay $0x1  }
0x73: {  	v3 =	vperm.xlane v3, v2;
	v4 =	vadd.s32 v1, v4;
	_ =	sdelay $0x1  }
0x74: {  	v3 =	vadd.s32 v1, v3;
	_ =	sdelay $0x1  }
0x75: {  	s29 =	rddreg [dreg:$0x17]  }
0x76: {  	[tilespmem:s29], [sflag:$0x1] =	stream.indirect_vreg.gather [hbm4b:s0+s5], $0x80, v4, vm0, $0xb8;
	[tilespmem:$0x1C300] =	vst v63  }
0x77: {  	s31 =	rddreg [dreg:$0x18]  }
0x78: {  	[tilespmem:s31], [sflag:$0x1] =	stream.indirect_vreg.gather [hbm4b:s0+s5], $0x80, v3, vm0, $0xb8;
	[tilespmem:$0x1C300] =	vst v63  }
0x79: {  	v3 =	vld [tilespmem:$0x70];
	_ =	sdelay $0x4  }
0x7a: {  	v42 =	vshll.u32 v3, $0x1  }
0x7b: {  	v3 =	vand.u32 $0x7, v3;
	v4 =	vand.u32 $0xFFFFFFF0, v42  }
0x7c: {  	v3 =	vor.u32 v3, v4  }
0x7d: {  	v4 =	vperm.xlane v3, v0;
	_ =	sdelay $0x1  }
0x7e: {  	v3 =	vperm.xlane v3, v2;
	v4 =	vadd.s32 v1, v4;
	_ =	sdelay $0x1  }
0x7f: {  	v3 =	vadd.s32 v1, v3;
	_ =	sdelay $0x1  }
0x80: {  	s29 =	rddreg [dreg:$0x19]  }
0x81: {  	[tilespmem:s29], [sflag:$0x1] =	stream.indirect_vreg.gather [hbm4b:s0+s5], $0x80, v4, vm0, $0xb8;
	[tilespmem:$0x1C300] =	vst v63  }
0x82: {  	s31 =	rddreg [dreg:$0x1a]  }
0x83: {  	[tilespmem:s31], [sflag:$0x1] =	stream.indirect_vreg.gather [hbm4b:s0+s5], $0x80, v3, vm0, $0xb8;
	[tilespmem:$0x1C300] =	vst v63  }
0x84: {  	v3 =	vld [tilespmem:$0x80];
	_ =	sdelay $0x4  }
0x85: {  	v43 =	vshll.u32 v3, $0x1  }
0x86: {  	v3 =	vand.u32 $0x7, v3;
	v4 =	vand.u32 $0xFFFFFFF0, v43  }
0x87: {  	v3 =	vor.u32 v3, v4  }
0x88: {  	v4 =	vperm.xlane v3, v0;
	_ =	sdelay $0x1  }
0x89: {  	v3 =	vperm.xlane v3, v2;
	v4 =	vadd.s32 v1, v4;
	_ =	sdelay $0x1  }
0x8a: {  	v3 =	vadd.s32 v1, v3;
	_ =	sdelay $0x1  }
0x8b: {  	s29 =	rddreg [dreg:$0x1b]  }
0x8c: {  	[tilespmem:s29], [sflag:$0x1] =	stream.indirect_vreg.gather [hbm4b:s0+s5], $0x80, v4, vm0, $0xb8;
	[tilespmem:$0x1C300] =	vst v63  }
0x8d: {  	s31 =	rddreg [dreg:$0x1c]  }
0x8e: {  	[tilespmem:s31], [sflag:$0x1] =	stream.indirect_vreg.gather [hbm4b:s0+s5], $0x80, v3, vm0, $0xb8;
	[tilespmem:$0x1C300] =	vst v63  }
0x8f: {  	v3 =	vld [tilespmem:$0x90];
	_ =	sdelay $0x4  }
0x90: {  	v44 =	vshll.u32 v3, $0x1  }
0x91: {  	v3 =	vand.u32 $0x7, v3;
	v4 =	vand.u32 $0xFFFFFFF0, v44  }
0x92: {  	v3 =	vor.u32 v3, v4  }
0x93: {  	v4 =	vperm.xlane v3, v0;
	_ =	sdelay $0x1  }
0x94: {  	v3 =	vperm.xlane v3, v2;
	v4 =	vadd.s32 v1, v4;
	_ =	sdelay $0x1  }
0x95: {  	v3 =	vadd.s32 v1, v3;
	_ =	sdelay $0x1  }
0x96: {  	s29 =	rddreg [dreg:$0x1d]  }
0x97: {  	[tilespmem:s29], [sflag:$0x1] =	stream.indirect_vreg.gather [hbm4b:s0+s5], $0x80, v4, vm0, $0xb8;
	[tilespmem:$0x1C300] =	vst v63  }
0x98: {  	s31 =	rddreg [dreg:$0x1e]  }
0x99: {  	[tilespmem:s31], [sflag:$0x1] =	stream.indirect_vreg.gather [hbm4b:s0+s5], $0x80, v3, vm0, $0xb8;
	[tilespmem:$0x1C300] =	vst v63  }
0x9a: {  	v3 =	vld [tilespmem:$0xA0];
	_ =	sdelay $0x4  }
0x9b: {  	v45 =	vshll.u32 v3, $0x1  }
0x9c: {  	v3 =	vand.u32 $0x7, v3;
	v4 =	vand.u32 $0xFFFFFFF0, v45  }
0x9d: {  	v3 =	vor.u32 v3, v4  }
0x9e: {  	v4 =	vperm.xlane v3, v0;
	_ =	sdelay $0x1  }
0x9f: {  	v3 =	vperm.xlane v3, v2;
	v4 =	vadd.s32 v1, v4;
	_ =	sdelay $0x1  }
0xa0: {  	v3 =	vadd.s32 v1, v3  }
0xa1: {  	s29 =	rddreg [dreg:$0x1f]  }
0xa2: {  	s31 =	sld [smem:$0x7FC]  }
0xa3: {  	[tilespmem:s29], [sflag:$0x1] =	stream.indirect_vreg.gather [hbm4b:s0+s5], $0x80, v4, vm0, $0xb8;
	[tilespmem:$0x1C300] =	vst v63  }
0xa4: {  	_ = 	snop  }
0xa5: {  	[tilespmem:s31], [sflag:$0x1] =	stream.indirect_vreg.gather [hbm4b:s0+s5], $0x80, v3, vm0, $0xb8;
	[tilespmem:$0x1C300] =	vst v63  }
0xa6: {  	v3 =	vld [tilespmem:$0xB0];
	_ =	sdelay $0x4  }
0xa7: {  	v46 =	vshll.u32 v3, $0x1  }
0xa8: {  	v3 =	vand.u32 $0x7, v3;
	v4 =	vand.u32 $0xFFFFFFF0, v46  }
0xa9: {  	v3 =	vor.u32 v3, v4  }
0xaa: {  	v4 =	vperm.xlane v3, v0;
	_ =	sdelay $0x1  }
0xab: {  	v3 =	vperm.xlane v3, v2;
	v4 =	vadd.s32 v1, v4;
	_ =	sdelay $0x1  }
0xac: {  	s30 =	sld [smem:$0x7FD];
	v3 =	vadd.s32 v1, v3;
	_ =	sdelay $0x2  }
0xad: {  	[tilespmem:s30], [sflag:$0x1] =	stream.indirect_vreg.gather [hbm4b:s0+s5], $0x80, v4, vm0, $0xb8;
	[tilespmem:$0x1C300] =	vst v63  }
0xae: {  	_ = 	snop  }
0xaf: {  	[tilespmem:s10], [sflag:$0x1] =	stream.indirect_vreg.gather [hbm4b:s0+s5], $0x80, v3, vm0, $0xb8;
	[tilespmem:$0x1C300] =	vst v63  }
0xb0: {  	v3 =	vld [tilespmem:$0xC0];
	_ =	sdelay $0x4  }
0xb1: {  	v47 =	vshll.u32 v3, $0x1  }
0xb2: {  	v3 =	vand.u32 $0x7, v3;
	v4 =	vand.u32 $0xFFFFFFF0, v47  }
0xb3: {  	v3 =	vor.u32 v3, v4  }
0xb4: {  	v4 =	vperm.xlane v3, v0;
	_ =	sdelay $0x1  }
0xb5: {  	v3 =	vperm.xlane v3, v2;
	v4 =	vadd.s32 v1, v4;
	_ =	sdelay $0x1  }
0xb6: {  	v3 =	vadd.s32 v1, v3;
	_ =	sdelay $0x2  }
0xb7: {  	[tilespmem:s11], [sflag:$0x1] =	stream.indirect_vreg.gather [hbm4b:s0+s5], $0x80, v4, vm0, $0xb8;
	[tilespmem:$0x1C300] =	vst v63  }
0xb8: {  	_ = 	snop  }
0xb9: {  	[tilespmem:s12], [sflag:$0x1] =	stream.indirect_vreg.gather [hbm4b:s0+s5], $0x80, v3, vm0, $0xb8;
	[tilespmem:$0x1C300] =	vst v63  }
0xba: {  	v3 =	vld [tilespmem:$0xD0];
	_ =	sdelay $0x4  }
0xbb: {  	v48 =	vshll.u32 v3, $0x1  }
0xbc: {  	v3 =	vand.u32 $0x7, v3;
	v4 =	vand.u32 $0xFFFFFFF0, v48  }
0xbd: {  	v3 =	vor.u32 v3, v4  }
0xbe: {  	v4 =	vperm.xlane v3, v0;
	_ =	sdelay $0x1  }
0xbf: {  	v3 =	vperm.xlane v3, v2;
	v4 =	vadd.s32 v1, v4;
	_ =	sdelay $0x1  }
0xc0: {  	v3 =	vadd.s32 v1, v3;
	_ =	sdelay $0x2  }
0xc1: {  	[tilespmem:s13], [sflag:$0x1] =	stream.indirect_vreg.gather [hbm4b:s0+s5], $0x80, v4, vm0, $0xb8;
	[tilespmem:$0x1C300] =	vst v63  }
0xc2: {  	_ = 	snop  }
0xc3: {  	[tilespmem:s14], [sflag:$0x1] =	stream.indirect_vreg.gather [hbm4b:s0+s5], $0x80, v3, vm0, $0xb8;
	[tilespmem:$0x1C300] =	vst v63  }
0xc4: {  	v3 =	vld [tilespmem:$0xE0];
	_ =	sdelay $0x4  }
0xc5: {  	v49 =	vshll.u32 v3, $0x1  }
0xc6: {  	v3 =	vand.u32 $0x7, v3;
	v4 =	vand.u32 $0xFFFFFFF0, v49  }
0xc7: {  	v3 =	vor.u32 v3, v4  }
0xc8: {  	v4 =	vperm.xlane v3, v0;
	_ =	sdelay $0x1  }
0xc9: {  	v3 =	vperm.xlane v3, v2;
	v4 =	vadd.s32 v1, v4;
	_ =	sdelay $0x1  }
0xca: {  	v3 =	vadd.s32 v1, v3;
	_ =	sdelay $0x2  }
0xcb: {  	[tilespmem:s15], [sflag:$0x1] =	stream.indirect_vreg.gather [hbm4b:s0+s5], $0x80, v4, vm0, $0xb8;
	[tilespmem:$0x1C300] =	vst v63  }
0xcc: {  	_ = 	snop  }
0xcd: {  	[tilespmem:s16], [sflag:$0x1] =	stream.indirect_vreg.gather [hbm4b:s0+s5], $0x80, v3, vm0, $0xb8;
	[tilespmem:$0x1C300] =	vst v63  }
0xce: {  	v3 =	vld [tilespmem:$0xF0];
	_ =	sdelay $0x4  }
0xcf: {  	v50 =	vshll.u32 v3, $0x1  }
0xd0: {  	v3 =	vand.u32 $0x7, v3;
	v4 =	vand.u32 $0xFFFFFFF0, v50  }
0xd1: {  	v3 =	vor.u32 v3, v4  }
0xd2: {  	v4 =	vperm.xlane v3, v0;
	_ =	sdelay $0x1  }
0xd3: {  	v3 =	vperm.xlane v3, v2;
	v4 =	vadd.s32 v1, v4;
	_ =	sdelay $0x1  }
0xd4: {  	v3 =	vadd.s32 v1, v3;
	_ =	sdelay $0x2  }
0xd5: {  	[tilespmem:s17], [sflag:$0x1] =	stream.indirect_vreg.gather [hbm4b:s0+s5], $0x80, v4, vm0, $0xb8;
	[tilespmem:$0x1C300] =	vst v63  }
0xd6: {  	_ = 	snop  }
0xd7: {  	[tilespmem:s18], [sflag:$0x1] =	stream.indirect_vreg.gather [hbm4b:s0+s5], $0x80, v3, vm0, $0xb8;
	[tilespmem:$0x1C300] =	vst v63  }
0xd8: {  	v3 =	vld [tilespmem:$0x0];
	_ =	sdelay $0x1  }
0xd9: {  	v4 =	vld [tilespmem:$0x10];
	_ =	sdelay $0x1  }
0xda: {  	v5 =	vld [tilespmem:$0x20]  }
0xdb: {  	v6 =	vand.u32 $0x7, v3  }
0xdc: {  	v51 =	vld [tilespmem:$0x30];
	v3 =	vshra.s32 v3, $0x3;
	[tilespmem:$0x100] =	vst v6  }
0xdd: {  	[tilespmem:$0x200] =	vst v3;
	v3 =	vand.u32 $0x7, v4  }
0xde: {  	v52 =	vld [tilespmem:$0x40];
	[tilespmem:$0x110] =	vst v3;
	v3 =	vshra.s32 v4, $0x3  }
0xdf: {  	[tilespmem:$0x210] =	vst v3;
	v3 =	vand.u32 $0x7, v5  }
0xe0: {  	v53 =	vld [tilespmem:$0x50];
	[tilespmem:$0x120] =	vst v3;
	v3 =	vshra.s32 v5, $0x3  }
0xe1: {  	[tilespmem:$0x220] =	vst v3;
	v3 =	vand.u32 $0x7, v51  }
0xe2: {  	v54 =	vld [tilespmem:$0x60];
	[tilespmem:$0x130] =	vst v3;
	v3 =	vshra.s32 v51, $0x3  }
0xe3: {  	[tilespmem:$0x230] =	vst v3;
	v3 =	vand.u32 $0x7, v52  }
0xe4: {  	v55 =	vld [tilespmem:$0x70];
	[tilespmem:$0x140] =	vst v3;
	v3 =	vshra.s32 v52, $0x3  }
0xe5: {  	[tilespmem:$0x240] =	vst v3;
	v3 =	vand.u32 $0x7, v53  }
0xe6: {  	v56 =	vld [tilespmem:$0x80];
	[tilespmem:$0x150] =	vst v3;
	v3 =	vshra.s32 v53, $0x3  }
0xe7: {  	[tilespmem:$0x250] =	vst v3;
	v3 =	vand.u32 $0x7, v54  }
0xe8: {  	v57 =	vld [tilespmem:$0x90];
	[tilespmem:$0x160] =	vst v3;
	v3 =	vshra.s32 v54, $0x3  }
0xe9: {  	[tilespmem:$0x260] =	vst v3;
	v3 =	vand.u32 $0x7, v55  }
0xea: {  	v58 =	vld [tilespmem:$0xA0];
	[tilespmem:$0x170] =	vst v3;
	v3 =	vshra.s32 v55, $0x3  }
0xeb: {  	[tilespmem:$0x270] =	vst v3;
	v3 =	vand.u32 $0x7, v56  }
0xec: {  	v59 =	vld [tilespmem:$0xB0];
	[tilespmem:$0x180] =	vst v3;
	v3 =	vshra.s32 v56, $0x3  }
0xed: {  	[tilespmem:$0x280] =	vst v3;
	v3 =	vand.u32 $0x7, v57  }
0xee: {  	v60 =	vld [tilespmem:$0xC0];
	[tilespmem:$0x190] =	vst v3;
	v3 =	vshra.s32 v57, $0x3  }
0xef: {  	[tilespmem:$0x290] =	vst v3;
	v3 =	vand.u32 $0x7, v58  }
0xf0: {  	v61 =	vld [tilespmem:$0xD0];
	[tilespmem:$0x1A0] =	vst v3;
	v3 =	vshra.s32 v58, $0x3  }
0xf1: {  	[tilespmem:$0x2A0] =	vst v3;
	v3 =	vand.u32 $0x7, v59  }
0xf2: {  	v62 =	vld [tilespmem:$0xE0];
	[tilespmem:$0x1B0] =	vst v3;
	v3 =	vshra.s32 v59, $0x3  }
0xf3: {  	[tilespmem:$0x2B0] =	vst v3;
	v3 =	vand.u32 $0x7, v60  }
0xf4: {  	v63 =	vld [tilespmem:$0xF0];
	[tilespmem:$0x1C0] =	vst v3;
	v3 =	vshra.s32 v60, $0x3  }
0xf5: {  	[tilespmem:$0x2C0] =	vst v3;
	v3 =	vand.u32 $0x7, v61  }
0xf6: {  	[tilespmem:$0x1D0] =	vst v3;
	v3 =	vshra.s32 v61, $0x3  }
0xf7: {  	[tilespmem:$0x2D0] =	vst v3;
	v3 =	vand.u32 $0x7, v62  }
0xf8: {  	[tilespmem:$0x1E0] =	vst v3;
	v3 =	vshra.s32 v62, $0x3  }
0xf9: {  	[tilespmem:$0x2E0] =	vst v3;
	v3 =	vand.u32 $0x7, v63  }
0xfa: {  	[tilespmem:$0x1F0] =	vst v3;
	v3 =	vshra.s32 v63, $0x3  }
0xfb: {  	[tilespmem:$0x2F0] =	vst v3  }
0xfc: {  	[tilespmem:s21], [sflag:$0x2] =	stream.indirect.gather [hbm4b:s2+s19], $0x80, s20, s19, $0xb8;
	[tilespmem:$0x1C300] =	vst v63  }
0xfd: {  	_ =	swait.ge [sflag:s8], $0x4000  }
0xfe: {  	[sflag:s8] =	ssyncset.done $0x0  }
0xff: {  	[sflag:s8] =	ssyncadd.s32 $0xFFFFC000  }
0x100: {  	[tilespmem:s23], [sflag:$0x2] =	stream.indirect.gather [hbm4b:s2+s19], $0x80, s22, s19, $0xb8;
	[tilespmem:$0x1C300] =	vst v63  }
0x101: {  	s31 =	sshll.u32 s1, $0x6;
	_ =	swait.ge [sflag:s8], $0x4000  }
0x102: {  	s30 =	sor.u32 $0x1C02, s31;
	[sflag:s8] =	ssyncset.done $0x0  }
0x103: {  	s31 =	sshrl.u32 s6, $0x3;
	s29 =	rddreg [dreg:$0x9];
	[sflag:s8] =	ssyncadd.s32 $0xFFFFC000  }
0x104: {  	[spmem:s31], [sflag:s30] =	dma.local [hbm:s29], $0x400  }
0x105: {  	_ =	swait.ge [sflag:s8], $0x400  }
0x106: {  	[sflag:s8] =	ssyncset.done $0x0  }
0x107: {  	[sflag:s8] =	ssyncadd.s32 $0xFFFFFC00  }
0x108: {  	[bflag:$0x0] =	sbarrier.arrive $0xFFFF  }
0x109: {  	[spmem:s4] =	stream.indirect.scatter.add.f32 [tilespmem:s21], [sflag:$0x2], $0x80, s24, s19, $0xb8;
	[tilespmem:$0x1C300] =	vst v63  }
0x10a: {  	_ =	swait.ge [sflag:s8], $0x4000  }
0x10b: {  	[sflag:s8] =	ssyncset.done $0x0  }
0x10c: {  	[sflag:s8] =	ssyncadd.s32 $0xFFFFC000  }
0x10d: {  	[spmem:s4] =	stream.indirect.scatter.add.f32 [tilespmem:s23], [sflag:$0x2], $0x80, s25, s19, $0xb8;
	[tilespmem:$0x1C300] =	vst v63  }
0x10e: {  	_ =	swait.ge [sflag:s8], $0x4000  }
0x10f: {  	[sflag:s8] =	ssyncset.done $0x0  }
0x110: {  	[sflag:s8] =	ssyncadd.s32 $0xFFFFC000  }
0x111: {  	[bflag:$0x0] =	sbarrier.arrive $0xFFFF  }
0x112: {  	[tilespmem:s26], [sflag:$0x2] =	stream.linear.gather [spmem:s6], $0x2000, $0x38;
	[tilespmem:$0x1C300] =	vst v63  }
0x113: {  	_ =	swait.ge [sflag:s8], $0x2000  }
0x114: {  	[sflag:s8] =	ssyncset.done $0x0  }
0x115: {  	s30 =	rddreg [dreg:$0xa];
	[sflag:s8] =	ssyncadd.s32 $0xFFFFE000  }
0x116: {  	[hbm4b:s30+s5] =	stream.linear.scatter [tilespmem:s26], [sflag:$0x2], $0x2000, $0x38;
	[tilespmem:$0x1C300] =	vst v63  }
0x117: {  	_ =	swait.ge [sflag:s8], $0x2000  }
0x118: {  	[sflag:s8] =	ssyncset.done $0x0  }
0x119: {  	[sflag:s8] =	ssyncadd.s32 $0xFFFFE000  }
0x11a: {  	_ =	swait.ge [sflag:s28], $0x8000  }
0x11b: {  	[sflag:s28] =	ssyncset.done $0x0  }
0x11c: {  	[sflag:s28] =	ssyncadd.s32 $0xFFFF8000  }
0x11d: {  	_ =	swait.ge [sflag:s28], $0x8000  }
0x11e: {  	p0 =	sne.s32 s7, $0x1;
	[sflag:s28] =	ssyncset.done $0x0  }
.Ltmp0:
0x11f: {  	s31 =	rddreg [dreg:$0xb];
	[sflag:s28] =	ssyncadd.s32 $0xFFFF8000;
	(pc) =	sbr.rel @p0 .LBB2_1-.Ltmp0, $4  }
0x120: {  	[hbm4b:s31+s5] =	stream.linear.scatter [tilespmem:s9], [sflag:$0x2], $0x10000, $0x38;
	[tilespmem:$0x1C300] =	vst v63  }
0x121: {  	_ =	swait.ge [sflag:s8], $0x10000  }
0x122: {  	[sflag:s8] =	ssyncset.done $0x0  }
0x123: {  	s7 =	sadd.s32 $0xFFFFFFFF, s7;
	[sflag:s8] =	ssyncadd.s32 $0xFFFF0000  }
0x124: {  	_ =	sfence.sel $0x180000  }
0x125: {  	[bflag:$0x0] =	sbarrier.arrive $0xFFFF  }
0x126: {  	p0 =	sne.s32 s1, $0x0;
	_ =	strace $0x90000047  }
0x127: {  	s0 =	sadd.s32 @!p0 $0x100000, s3;
	[bflag:$0x2] =	sbarrier.arrive $0xFFFF  }
0x128: {  	[sflag:s0] =	ssyncadd.tile.s32 @!p0 $0x1;
	_ =	shalt  }
.Lfunc_end2:
_tile_overlayer_lowered:
.L_overlay_start_2:
0x129: {  	(tag) =	ssettag $0x2  }
0x12a: {  	s0 =	rddreg [dreg:$0x0];
	s2 =	stileid.u32  }
0x12b: {  	s1 =	rddreg [dreg:$0x1];
	p0 =	sne.s32 s2, $0x0  }
0x12c: {  	s3 =	rddreg [dreg:$0x2];
	[bflag:$0x3] =	sbarrier.arrive $0xFFFF;
	s2 =	simm.s32 @!p0 $0x1C02  }
0x12d: {  	[timem:s3], [sflag:s2] =	dma.local @!p0 [hbm:s0], s1  }
0x12e: {  	s0 =	simm.s32 @!p0 $0x2  }
0x12f: {  	_ =	swait.ge @!p0 [sflag:s0], s1  }
0x130: {  	s1 =	ssub.s32 @!p0 $0x0, s1;
	[sflag:s0] =	ssyncset.done @!p0 $0x0  }
0x131: {  	[sflag:s0] =	ssyncadd.s32 @!p0 s1  }
0x132: {  	[bflag:$0x3] =	sbarrier.arrive $0xFFFF  }
0x133: {  	_ =	shalt  }

</sc_bundles>
